<compile_context>
chip_gen: v7x
topology: tpu7x:2x2x1
jax: 0.10.2.dev20260603
libtpu: 0.0.44.dev20260713+nightly
codegen_flags: <defaults>
</compile_context>

<pallas_src>
import functools

import jax
import jax.numpy as jnp
from jax.experimental import pallas as pl
from jax.experimental.pallas import tpu as pltpu
from jax.experimental.pallas import tpu_sc as plsc

B = 16
N = 4096
DIN = 128
DOUT = 256
S = N // 4
K = 16
EPS = 1e-5

_BIG = 3.0e38



def _fps_kernel(xyz_ref, idx_ref, cx_ref, cy_ref, cz_ref, dist_ref):
    xr = xyz_ref[:, 0, :]
    yr = xyz_ref[:, 1, :]
    zr = xyz_ref[:, 2, :]
    lane = jax.lax.broadcasted_iota(jnp.int32, (B, N), 1)
    dist_ref[...] = jnp.full((B, N), 1e10, dtype=jnp.float32)

    def body(i, far):
        idx_ref[pl.ds(i, 1), :] = far[None, :]
        m = lane == far[:, None]
        cx = jnp.sum(jnp.where(m, xr, 0.0), axis=1)
        cy = jnp.sum(jnp.where(m, yr, 0.0), axis=1)
        cz = jnp.sum(jnp.where(m, zr, 0.0), axis=1)
        cx_ref[pl.ds(i, 1), :] = cx[None, :]
        cy_ref[pl.ds(i, 1), :] = cy[None, :]
        cz_ref[pl.ds(i, 1), :] = cz[None, :]
        dx = xr - cx[:, None]
        dy = yr - cy[:, None]
        dz = zr - cz[:, None]
        d = (dx * dx + dy * dy) + dz * dz
        dnew = jnp.minimum(dist_ref[...], d)
        dist_ref[...] = dnew
        mx = jnp.max(dnew, axis=1)
        cand = jnp.where(dnew == mx[:, None], lane, N)
        return jnp.min(cand, axis=1).astype(jnp.int32)

    jax.lax.fori_loop(0, S, body, jnp.zeros((B,), jnp.int32))


def _fps(xyz_t):
    return pl.pallas_call(
        _fps_kernel,
        out_shape=(
            jax.ShapeDtypeStruct((S, B), jnp.int32),
            jax.ShapeDtypeStruct((S, B), jnp.float32),
            jax.ShapeDtypeStruct((S, B), jnp.float32),
            jax.ShapeDtypeStruct((S, B), jnp.float32),
        ),
        scratch_shapes=[pltpu.VMEM((B, N), jnp.float32)],
    )(xyz_t)



_S_TILE = 256


def _knn_kernel(xyz_ref, q_ref, out_ref, sc_ref):
    b = pl.program_id(0)
    xr = xyz_ref[0]
    qb = q_ref[0]
    r2 = jnp.sum(xr * xr, axis=0, keepdims=True)
    q2 = jnp.sum(qb * qb, axis=0)
    qr = jax.lax.dot_general(
        qb, xr, (((0,), (0,)), ((), ())),
        preferred_element_type=jnp.float32)
    sc_ref[...] = (q2[:, None] + r2) - 2.0 * qr
    lane = jax.lax.broadcasted_iota(jnp.int32, (_S_TILE, N), 1)
    base = b * N
    for k in range(K):
        s = sc_ref[...]
        mn = jnp.min(s, axis=1)
        cand = jnp.where(s == mn[:, None], lane, N)
        idx = jnp.min(cand, axis=1).astype(jnp.int32)
        out_ref[0, :, k] = idx + base
        sc_ref[...] = jnp.where(lane == idx[:, None], _BIG, s)


def _knn(xyz_t, q_t):
    return pl.pallas_call(
        _knn_kernel,
        grid=(B, S // _S_TILE),
        in_specs=[
            pl.BlockSpec((1, 3, N), lambda b, s: (b, 0, 0)),
            pl.BlockSpec((1, 3, _S_TILE), lambda b, s: (b, 0, s)),
        ],
        out_specs=pl.BlockSpec((1, _S_TILE, K), lambda b, s: (b, s, 0)),
        out_shape=jax.ShapeDtypeStruct((B, S, K), jnp.int32),
        scratch_shapes=[pltpu.VMEM((_S_TILE, N), jnp.float32)],
    )(xyz_t, q_t)



_GW = 128
_NIDX = B * S * K


def _sc_gather(feat2d, idx_flat):
    @functools.partial(
        pl.kernel,
        out_type=jax.ShapeDtypeStruct((_NIDX, DIN), jnp.float32),
        mesh=plsc.VectorSubcoreMesh(core_axis_name="core",
                                    subcore_axis_name="subcore"),
    )
    def kern(x_hbm, i_hbm, o_hbm):
        def body(i_vmem, o_vmem):
            pltpu.sync_copy(x_hbm.at[i_vmem.at[0]], o_vmem)

        pltpu.emit_pipeline(
            body,
            grid=(_NIDX // _GW,),
            in_specs=[pl.BlockSpec((1, _GW), lambda i: (0, i))],
            out_specs=[pl.BlockSpec((_GW, DIN), lambda i: (i, 0))],
            core_axis_name="subcore",
            dimension_semantics=(pltpu.PARALLEL,),
        )(i_hbm, o_hbm)

    return kern(feat2d, idx_flat)



_ROW_TILE = 512


def _mm_kernel(g_ref, w_ref, b_ref, mx_ref, s1_ref, s2_ref):
    x = jax.lax.dot_general(
        g_ref[...], w_ref[...], (((1,), (1,)), ((), ())),
        preferred_element_type=jnp.float32) + b_ref[...]
    @pl.when(pl.program_id(0) == 0)
    def _init():
        s1_ref[...] = jnp.zeros_like(s1_ref)
        s2_ref[...] = jnp.zeros_like(s2_ref)
    s1_ref[...] += jnp.sum(x, axis=0, keepdims=True)
    s2_ref[...] += jnp.sum(x * x, axis=0, keepdims=True)
    mx_ref[...] = jnp.max(x.reshape(_ROW_TILE, K, DOUT), axis=1)


def _mm_stats_max(g, w, bias2):
    grid = (B * S) // _ROW_TILE
    return pl.pallas_call(
        _mm_kernel,
        grid=(grid,),
        in_specs=[
            pl.BlockSpec((_ROW_TILE * K, DIN), lambda i: (i, 0)),
            pl.BlockSpec((DOUT, DIN), lambda i: (0, 0)),
            pl.BlockSpec((1, DOUT), lambda i: (0, 0)),
        ],
        out_specs=(
            pl.BlockSpec((_ROW_TILE, DOUT), lambda i: (i, 0)),
            pl.BlockSpec((1, DOUT), lambda i: (0, 0)),
            pl.BlockSpec((1, DOUT), lambda i: (0, 0)),
        ),
        out_shape=(
            jax.ShapeDtypeStruct((B * S, DOUT), jnp.float32),
            jax.ShapeDtypeStruct((1, DOUT), jnp.float32),
            jax.ShapeDtypeStruct((1, DOUT), jnp.float32),
        ),
    )(g, w, bias2)



def _norm_kernel(x_ref, s1_ref, s2_ref, g_ref, bt_ref, o_ref):
    inv_n = jnp.float32(1.0 / (B * S * K))
    m = s1_ref[...] * inv_n
    v = s2_ref[...] * inv_n - m * m
    scale = g_ref[...] * jax.lax.rsqrt(v + EPS)
    o_ref[...] = jnp.maximum((x_ref[...] - m) * scale + bt_ref[...], 0.0)


def _norm(mx, s1, s2, gamma2, beta2):
    tile = (B * S) // 4
    return pl.pallas_call(
        _norm_kernel,
        grid=(4,),
        in_specs=[
            pl.BlockSpec((tile, DOUT), lambda i: (i, 0)),
            pl.BlockSpec((1, DOUT), lambda i: (0, 0)),
            pl.BlockSpec((1, DOUT), lambda i: (0, 0)),
            pl.BlockSpec((1, DOUT), lambda i: (0, 0)),
            pl.BlockSpec((1, DOUT), lambda i: (0, 0)),
        ],
        out_specs=pl.BlockSpec((tile, DOUT), lambda i: (i, 0)),
        out_shape=jax.ShapeDtypeStruct((B * S, DOUT), jnp.float32),
    )(mx, s1, s2, gamma2, beta2)



def kernel(input_feature, xyz, W, b, gamma, beta):
    xyz_t = jnp.transpose(xyz, (0, 2, 1))
    _, cx, cy, cz = _fps(xyz_t)
    sample_xyz = jnp.stack([cx.T, cy.T, cz.T], axis=-1)
    q_t = jnp.stack([cx.T, cy.T, cz.T], axis=1)
    knn_idx = _knn(xyz_t, q_t)
    idx_flat = knn_idx.reshape(1, _NIDX)
    feat2d = input_feature.reshape(B * N, DIN)
    g = _sc_gather(feat2d, idx_flat)
    mx, s1, s2 = _mm_stats_max(g, W, b.reshape(1, DOUT))
    y = _norm(mx, s1, s2, gamma.reshape(1, DOUT), beta.reshape(1, DOUT))
    return y.reshape(B, S, DOUT), sample_xyz

# --- scband reference (transcript-rebuilt; emitter-appended) ---
"""Pipeline reference for scband-transition-down-71820443124432 (READ-ONLY COPY).

The authoritative reference and input builder live on the scoring server;
editing this copy changes nothing except your own understanding.
"""

import jax, jax.numpy as jnp
import numpy as np

B = 16
N = 4096
INPUT_DIM = 128
OUTPUT_DIM = 256
SAMPLE_RATIO = 4
K = 16
EPS = 1e-5


def fps(xyz, n_samples):
    Bq, Nq, _ = xyz.shape
    def body(i, state):
        dists, idxs, farthest = state
        idxs = idxs.at[:, i].set(farthest)
        centroid = jnp.take_along_axis(xyz, farthest[:, None, None], axis=1)
        d = jnp.sum((xyz - centroid) ** 2, axis=-1)
        dists = jnp.minimum(dists, d)
        farthest = jnp.argmax(dists, axis=-1).astype(jnp.int32)
        return (dists, idxs, farthest)
    dists = jnp.full((Bq, Nq), 1e10, dtype=xyz.dtype)
    idxs = jnp.zeros((Bq, n_samples), dtype=jnp.int32)
    farthest = jnp.zeros((Bq,), dtype=jnp.int32)
    _, idxs, _ = jax.lax.fori_loop(0, n_samples, body, (dists, idxs, farthest))
    return idxs


def knn_indices(query, ref, k):
    # squared euclidean distances [B, S, N]
    d = (jnp.sum(query ** 2, axis=-1)[:, :, None]
         + jnp.sum(ref ** 2, axis=-1)[:, None, :]
         - 2.0 * jnp.einsum('bsd,bnd->bsn', query, ref))
    _, idx = jax.lax.top_k(-d, k)
    return idx


def setup_inputs(seed: int = 0):
    key = jax.random.key(seed)
    k1, k2, k3, k4 = jax.random.split(key, 4)
    input_feature = jax.random.normal(k1, (B, N, INPUT_DIM), dtype=jnp.float32)
    xyz = jax.random.uniform(k2, (B, N, 3), dtype=jnp.float32)
    lim = 1.0 / np.sqrt(INPUT_DIM)
    W = jax.random.uniform(k3, (OUTPUT_DIM, INPUT_DIM), dtype=jnp.float32, minval=-lim, maxval=lim)
    b = jax.random.uniform(k4, (OUTPUT_DIM,), dtype=jnp.float32, minval=-lim, maxval=lim)
    gamma = jnp.ones((OUTPUT_DIM,), dtype=jnp.float32)
    beta = jnp.zeros((OUTPUT_DIM,), dtype=jnp.float32)
    return {"input_feature": input_feature, "xyz": xyz, "W": W, "b": b, "gamma": gamma, "beta": beta}


def reference(input_feature, xyz, W, b, gamma, beta):
    S = xyz.shape[1] // SAMPLE_RATIO
    sample_idx = fps(xyz, S)                                        # [B, S] int32
    sample_xyz = jnp.take_along_axis(xyz, sample_idx[:, :, None], axis=1)  # [B, S, 3]
    knn_idx = knn_indices(sample_xyz, xyz, K)                       # [B, S, K]
    # gather_knn: [B, S, K, Din]
    feat = jax.vmap(lambda f, i: f[i])(input_feature, knn_idx)
    # linear
    sf = feat @ W.T + b                                             # [B, S, K, Dout]
    Bq, Sq, Kq, D = sf.shape
    x = sf.reshape(Bq, Sq * Kq, D)
    # BatchNorm1d (training mode, batch statistics over B and L per channel)
    m = x.mean(axis=(0, 1))
    v = x.var(axis=(0, 1))
    y = gamma * (x - m) / jnp.sqrt(v + EPS) + beta
    y = jax.nn.relu(y)
    y = y.reshape(Bq, Sq, Kq, D)
    out = y.max(axis=2)
    return (out, sample_xyz)

if __name__ == "__main__":
    import jax
    _d = setup_inputs()
    print(jax.jit(kernel)(*tuple(_d.values())))

</pallas_src>

<mosaic_0001>
#map = affine_map<(d0, d1) -> (0, 0)>
module attributes {stable_mosaic.version = 14 : i64} {
  func.func @kern(%arg0: i32, %arg1: i32, %arg2: memref<65536x128xf32, #tpu.memory_space<hbm>>, %arg3: memref<1x262144xi32, #tpu.memory_space<hbm>>, %arg4: memref<262144x128xf32, #tpu.memory_space<hbm>>) attributes {dimension_semantics = [#tpu.dimension_semantics<core_parallel>, #tpu.dimension_semantics<subcore_parallel>], iteration_bounds = array<i64: 2, 16>, scalar_prefetch = 0 : i64, scratch_operands = 0 : i64, tpu.core_type = #tpu.core_type<sc_vector_subcore>, window_params = [{transform_indices = #map}, {transform_indices = #map}, {transform_indices = #map}]} {
    %mul3A = arith.constant 128 : i32
    %mul3A_0 = arith.muli %arg1, %mul3A : i32
    "tpu.region"() ({
      %run_scoped3A = memref.alloca() : memref<2x1x128xi32, #tpu.memory_space<vmem>>
      %run_scoped3A_1 = tpu.sem_alloc : memref<2x!tpu.dma_semaphore, #tpu.memory_space<semaphore_mem>>
      %run_scoped3A_2 = memref.alloca() : memref<2x128x128xf32, #tpu.memory_space<vmem>>
      %run_scoped3A_3 = tpu.sem_alloc : memref<2x!tpu.dma_semaphore, #tpu.memory_space<semaphore_mem>>
      %add3A = arith.constant 0 : i32
      %add3A_4 = arith.addi %add3A, %mul3A_0 : i32
      %select_n3A = arith.constant true
      %select_n3A_5 = arith.constant 0 : i32
      %select_n3A_6 = arith.constant -1 : i32
      %select_n3A_7 = arith.select %select_n3A, %select_n3A_6, %select_n3A_5 : i32
      %eq3A = arith.constant -1 : i32
      %eq3A_8 = arith.cmpi eq, %select_n3A_7, %eq3A : i32
      %select_n3A_9 = arith.constant 127 : i32
      %select_n3A_10 = arith.select %eq3A_8, %select_n3A_9, %select_n3A_7 : i32
      %add3A_11 = arith.addi %select_n3A_10, %mul3A_0 : i32
      %select_n3A_12 = arith.constant true
      %select_n3A_13 = arith.constant 0 : i32
      %select_n3A_14 = arith.constant 1 : i32
      %select_n3A_15 = arith.select %select_n3A_12, %select_n3A_14, %select_n3A_13 : i32
      %eq3A_16 = arith.constant 128 : i32
      %eq3A_17 = arith.cmpi eq, %select_n3A_15, %eq3A_16 : i32
      %select_n3A_18 = arith.constant 0 : i32
      %select_n3A_19 = arith.select %eq3A_17, %select_n3A_18, %select_n3A_15 : i32
      %add3A_20 = arith.addi %select_n3A_19, %mul3A_0 : i32
      %add3A_21 = arith.constant 1 : i32
      %add3A_22 = arith.addi %select_n3A_19, %add3A_21 : i32
      %select_n3A_23 = arith.constant true
      %select_n3A_24 = arith.select %select_n3A_23, %add3A_22, %select_n3A_19 : i32
      %eq3A_25 = arith.constant 128 : i32
      %eq3A_26 = arith.cmpi eq, %select_n3A_24, %eq3A_25 : i32
      %select_n3A_27 = arith.constant 0 : i32
      %select_n3A_28 = arith.select %eq3A_26, %select_n3A_27, %select_n3A_24 : i32
      %add3A_29 = arith.addi %select_n3A_28, %mul3A_0 : i32
      "tpu.trace_start"() <{level = 10 : i32, message = "ep_initialize_0"}> : () -> ()
      %rem3A = arith.constant 0 : i32
      %rem3A_30 = arith.constant 2 : i32
      %rem3A_31 = arith.remui %rem3A, %rem3A_30 : i32
      %mul3A_32 = arith.constant 128 : i32
      %mul3A_33 = arith.muli %mul3A_32, %add3A_4 : i32
      %dma_start3A = arith.constant 0 : i32
      %dma_start3A_34 = arith.constant 0 : i32
      %dma_start3A_35 = tpu.memref_slice %run_scoped3A[%rem3A_31, %dma_start3A, %dma_start3A_34] : memref<2x1x128xi32, #tpu.memory_space<vmem>> -> memref<1x1x128xi32, #tpu.memory_space<vmem>>
      %dma_start3A_36 = tpu.memref_squeeze %dma_start3A_35 : memref<1x1x128xi32, #tpu.memory_space<vmem>> -> memref<1x128xi32, #tpu.memory_space<vmem>>
      %dma_start3A_37 = arith.constant 0 : i32
      %dma_start3A_38 = tpu.memref_slice %arg3[%dma_start3A_37, %mul3A_33] : memref<1x262144xi32, #tpu.memory_space<hbm>> -> memref<1x128xi32, #tpu.memory_space<hbm>>
      %dma_start3A_39 = tpu.memref_slice %run_scoped3A_1[%rem3A_31] : memref<2x!tpu.dma_semaphore, #tpu.memory_space<semaphore_mem>> -> memref<1x!tpu.dma_semaphore, #tpu.memory_space<semaphore_mem>>
      %dma_start3A_40 = tpu.memref_squeeze %dma_start3A_39 : memref<1x!tpu.dma_semaphore, #tpu.memory_space<semaphore_mem>> -> memref<!tpu.dma_semaphore, #tpu.memory_space<semaphore_mem>>
      %dma_start3A_41 = arith.constant 0 : i32
      %dma_start3A_42 = arith.constant 0 : i32
      %dma_start3A_43 = tpu.memref_slice %run_scoped3A[%rem3A_31, %dma_start3A_41, %dma_start3A_42] : memref<2x1x128xi32, #tpu.memory_space<vmem>> -> memref<1x1x128xi32, #tpu.memory_space<vmem>>
      %dma_start3A_44 = tpu.memref_squeeze %dma_start3A_43 : memref<1x1x128xi32, #tpu.memory_space<vmem>> -> memref<1x128xi32, #tpu.memory_space<vmem>>
      %dma_start3A_45 = arith.constant 0 : i32
      %dma_start3A_46 = tpu.memref_slice %arg3[%dma_start3A_45, %mul3A_33] : memref<1x262144xi32, #tpu.memory_space<hbm>> -> memref<1x128xi32, #tpu.memory_space<hbm>>
      tpu.enqueue_dma source(%dma_start3A_46 : memref<1x128xi32, #tpu.memory_space<hbm>>) target(%dma_start3A_44 : memref<1x128xi32, #tpu.memory_space<vmem>>) target_semaphore(%dma_start3A_40 : memref<!tpu.dma_semaphore, #tpu.memory_space<semaphore_mem>>)
      %add3A_47 = arith.constant 0 : i32
      %add3A_48 = arith.constant 1 : i32
      %add3A_49 = arith.addi %add3A_47, %add3A_48 : i32
      %select_n3A_50 = arith.constant true
      %select_n3A_51 = arith.constant 0 : i32
      %select_n3A_52 = arith.select %select_n3A_50, %add3A_49, %select_n3A_51 : i32
      "tpu.trace_stop"() : () -> ()
      %scan3A = arith.constant 0 : i32
      %scan3A_53 = arith.constant 0 : i32
      %scan3A_54 = arith.constant 0 : i32
      %scan3A_55 = arith.constant 0 : i32
      %scan3A_56 = arith.constant 0 : i32
      %scan3A_57 = arith.constant 128 : i32
      %scan3A_58 = arith.addi %scan3A_56, %scan3A_57 : i32
      %scan3A_59 = arith.constant 1 : i32
      %scan3A_60:5 = scf.for %scan3A_114 = %scan3A_56 to %scan3A_58 step %scan3A_59 iter_args(%scan3A_115 = %select_n3A_52, %scan3A_116 = %scan3A, %scan3A_117 = %scan3A_53, %scan3A_118 = %scan3A_54, %scan3A_119 = %scan3A_55) -> (i32, i32, i32, i32, i32)  : i32 {
        %eq3A_120 = arith.constant 0 : i32
        %eq3A_121 = arith.cmpi eq, %scan3A_114, %eq3A_120 : i32
        %eq3A_122 = arith.constant 127 : i32
        %eq3A_123 = arith.cmpi eq, %scan3A_114, %eq3A_122 : i32
        %add3A_124 = arith.addi %scan3A_119, %mul3A_0 : i32
        %sub3A_125 = arith.constant 1 : i32
        %sub3A_126 = arith.subi %scan3A_119, %sub3A_125 : i32
        %select_n3A_127 = arith.constant true
        %select_n3A_128 = arith.select %select_n3A_127, %sub3A_126, %scan3A_119 : i32
        %eq3A_129 = arith.constant -1 : i32
        %eq3A_130 = arith.cmpi eq, %select_n3A_128, %eq3A_129 : i32
        %select_n3A_131 = arith.constant 127 : i32
        %select_n3A_132 = arith.select %eq3A_130, %select_n3A_131, %select_n3A_128 : i32
        %add3A_133 = arith.addi %select_n3A_132, %mul3A_0 : i32
        %add3A_134 = arith.constant 1 : i32
        %add3A_135 = arith.addi %scan3A_119, %add3A_134 : i32
        %select_n3A_136 = arith.constant true
        %select_n3A_137 = arith.select %select_n3A_136, %add3A_135, %scan3A_119 : i32
        %eq3A_138 = arith.constant 128 : i32
        %eq3A_139 = arith.cmpi eq, %select_n3A_137, %eq3A_138 : i32
        %select_n3A_140 = arith.constant 0 : i32
        %select_n3A_141 = arith.select %eq3A_139, %select_n3A_140, %select_n3A_137 : i32
        %add3A_142 = arith.addi %select_n3A_141, %mul3A_0 : i32
        %add3A_143 = arith.constant 1 : i32
        %add3A_144 = arith.addi %select_n3A_141, %add3A_143 : i32
        %select_n3A_145 = arith.constant true
        %select_n3A_146 = arith.select %select_n3A_145, %add3A_144, %select_n3A_141 : i32
        %eq3A_147 = arith.constant 128 : i32
        %eq3A_148 = arith.cmpi eq, %select_n3A_146, %eq3A_147 : i32
        %select_n3A_149 = arith.constant 0 : i32
        %select_n3A_150 = arith.select %eq3A_148, %select_n3A_149, %select_n3A_146 : i32
        %add3A_151 = arith.addi %select_n3A_150, %mul3A_0 : i32
        %ne3A = arith.cmpi ne, %add3A_124, %add3A_142 : i32
        %or3A = arith.constant false
        %or3A_152 = arith.ori %or3A, %ne3A : i1
        %ge3A = arith.constant 127 : i32
        %ge3A_153 = arith.cmpi sge, %scan3A_114, %ge3A : i32
        %not3A = arith.constant true
        %not3A_154 = arith.xori %ge3A_153, %not3A : i1
        %and3A = arith.andi %or3A_152, %not3A_154 : i1
        %convert_element_type3A = arith.extui %and3A : i1 to i32
        %cond3A = arith.constant 0 : i32
        %cond3A_155 = arith.cmpi ne, %convert_element_type3A, %cond3A : i32
        scf.if %cond3A_155 {
          "tpu.trace_start"() <{level = 10 : i32, message = "ep_copy_in"}> : () -> ()
          %rem3A_257 = arith.constant 2 : i32
          %rem3A_258 = arith.remui %scan3A_115, %rem3A_257 : i32
          %mul3A_259 = arith.constant 128 : i32
          %mul3A_260 = arith.muli %mul3A_259, %add3A_142 : i32
          %dma_start3A_261 = arith.constant 0 : i32
          %dma_start3A_262 = arith.constant 0 : i32
          %dma_start3A_263 = tpu.memref_slice %run_scoped3A[%rem3A_258, %dma_start3A_261, %dma_start3A_262] : memref<2x1x128xi32, #tpu.memory_space<vmem>> -> memref<1x1x128xi32, #tpu.memory_space<vmem>>
          %dma_start3A_264 = tpu.memref_squeeze %dma_start3A_263 : memref<1x1x128xi32, #tpu.memory_space<vmem>> -> memref<1x128xi32, #tpu.memory_space<vmem>>
          %dma_start3A_265 = arith.constant 0 : i32
          %dma_start3A_266 = tpu.memref_slice %arg3[%dma_start3A_265, %mul3A_260] : memref<1x262144xi32, #tpu.memory_space<hbm>> -> memref<1x128xi32, #tpu.memory_space<hbm>>
          %dma_start3A_267 = tpu.memref_slice %run_scoped3A_1[%rem3A_258] : memref<2x!tpu.dma_semaphore, #tpu.memory_space<semaphore_mem>> -> memref<1x!tpu.dma_semaphore, #tpu.memory_space<semaphore_mem>>
          %dma_start3A_268 = tpu.memref_squeeze %dma_start3A_267 : memref<1x!tpu.dma_semaphore, #tpu.memory_space<semaphore_mem>> -> memref<!tpu.dma_semaphore, #tpu.memory_space<semaphore_mem>>
          %dma_start3A_269 = arith.constant 0 : i32
          %dma_start3A_270 = arith.constant 0 : i32
          %dma_start3A_271 = tpu.memref_slice %run_scoped3A[%rem3A_258, %dma_start3A_269, %dma_start3A_270] : memref<2x1x128xi32, #tpu.memory_space<vmem>> -> memref<1x1x128xi32, #tpu.memory_space<vmem>>
          %dma_start3A_272 = tpu.memref_squeeze %dma_start3A_271 : memref<1x1x128xi32, #tpu.memory_space<vmem>> -> memref<1x128xi32, #tpu.memory_space<vmem>>
          %dma_start3A_273 = arith.constant 0 : i32
          %dma_start3A_274 = tpu.memref_slice %arg3[%dma_start3A_273, %mul3A_260] : memref<1x262144xi32, #tpu.memory_space<hbm>> -> memref<1x128xi32, #tpu.memory_space<hbm>>
          tpu.enqueue_dma source(%dma_start3A_274 : memref<1x128xi32, #tpu.memory_space<hbm>>) target(%dma_start3A_272 : memref<1x128xi32, #tpu.memory_space<vmem>>) target_semaphore(%dma_start3A_268 : memref<!tpu.dma_semaphore, #tpu.memory_space<semaphore_mem>>)
          "tpu.trace_stop"() : () -> ()
        } else {
        }
        %and3A_156 = arith.constant true
        %and3A_157 = arith.andi %and3A, %and3A_156 : i1
        %add3A_158 = arith.constant 1 : i32
        %add3A_159 = arith.addi %scan3A_115, %add3A_158 : i32
        %select_n3A_160 = arith.select %and3A_157, %add3A_159, %scan3A_115 : i32
        %ne3A_161 = arith.cmpi ne, %add3A_124, %add3A_142 : i32
        %or3A_162 = arith.constant false
        %or3A_163 = arith.ori %or3A_162, %ne3A_161 : i1
        %or3A_164 = arith.constant false
        %or3A_165 = arith.ori %or3A_163, %or3A_164 : i1
        %ge3A_166 = arith.constant 127 : i32
        %ge3A_167 = arith.cmpi sge, %scan3A_114, %ge3A_166 : i32
        %not3A_168 = arith.constant true
        %not3A_169 = arith.xori %ge3A_167, %not3A_168 : i1
        %and3A_170 = arith.andi %or3A_165, %not3A_169 : i1
        %ne3A_171 = arith.cmpi ne, %add3A_124, %add3A_133 : i32
        %or3A_172 = arith.constant false
        %or3A_173 = arith.ori %or3A_172, %ne3A_171 : i1
        %or3A_174 = arith.ori %or3A_173, %eq3A_121 : i1
        %convert_element_type3A_175 = arith.extui %or3A_174 : i1 to i32
        %cond3A_176 = arith.constant 0 : i32
        %cond3A_177 = arith.cmpi ne, %convert_element_type3A_175, %cond3A_176 : i32
        scf.if %cond3A_177 {
          "tpu.trace_start"() <{level = 10 : i32, message = "ep_wait_in"}> : () -> ()
          %mul3A_257 = arith.constant 128 : i32
          %mul3A_258 = arith.muli %mul3A_257, %add3A_124 : i32
          %rem3A_259 = arith.constant 2 : i32
          %rem3A_260 = arith.remui %scan3A_116, %rem3A_259 : i32
          %dma_wait3A_261 = arith.constant 0 : i32
          %dma_wait3A_262 = arith.constant 0 : i32
          %dma_wait3A_263 = tpu.memref_slice %run_scoped3A[%rem3A_260, %dma_wait3A_261, %dma_wait3A_262] : memref<2x1x128xi32, #tpu.memory_space<vmem>> -> memref<1x1x128xi32, #tpu.memory_space<vmem>>
          %dma_wait3A_264 = tpu.memref_squeeze %dma_wait3A_263 : memref<1x1x128xi32, #tpu.memory_space<vmem>> -> memref<1x128xi32, #tpu.memory_space<vmem>>
          %dma_wait3A_265 = arith.constant 0 : i32
          %dma_wait3A_266 = tpu.memref_slice %arg3[%dma_wait3A_265, %mul3A_258] : memref<1x262144xi32, #tpu.memory_space<hbm>> -> memref<1x128xi32, #tpu.memory_space<hbm>>
          %dma_wait3A_267 = tpu.memref_slice %run_scoped3A_1[%rem3A_260] : memref<2x!tpu.dma_semaphore, #tpu.memory_space<semaphore_mem>> -> memref<1x!tpu.dma_semaphore, #tpu.memory_space<semaphore_mem>>
          %dma_wait3A_268 = tpu.memref_squeeze %dma_wait3A_267 : memref<1x!tpu.dma_semaphore, #tpu.memory_space<semaphore_mem>> -> memref<!tpu.dma_semaphore, #tpu.memory_space<semaphore_mem>>
          %dma_wait3A_269 = arith.constant 0 : i32
          %dma_wait3A_270 = arith.constant 0 : i32
          %dma_wait3A_271 = tpu.memref_slice %run_scoped3A[%rem3A_260, %dma_wait3A_269, %dma_wait3A_270] : memref<2x1x128xi32, #tpu.memory_space<vmem>> -> memref<1x1x128xi32, #tpu.memory_space<vmem>>
          %dma_wait3A_272 = tpu.memref_squeeze %dma_wait3A_271 : memref<1x1x128xi32, #tpu.memory_space<vmem>> -> memref<1x128xi32, #tpu.memory_space<vmem>>
          %dma_wait3A_273 = arith.constant 0 : i32
          %dma_wait3A_274 = tpu.memref_slice %arg3[%dma_wait3A_273, %mul3A_258] : memref<1x262144xi32, #tpu.memory_space<hbm>> -> memref<1x128xi32, #tpu.memory_space<hbm>>
          tpu.wait_dma2 semaphore(%dma_wait3A_268 : memref<!tpu.dma_semaphore, #tpu.memory_space<semaphore_mem>>) src(%dma_wait3A_274 : memref<1x128xi32, #tpu.memory_space<hbm>>) dst(%dma_wait3A_272 : memref<1x128xi32, #tpu.memory_space<vmem>>)
          "tpu.trace_stop"() : () -> ()
        } else {
        }
        %ne3A_178 = arith.cmpi ne, %add3A_124, %add3A_133 : i32
        %or3A_179 = arith.constant false
        %or3A_180 = arith.ori %or3A_179, %ne3A_178 : i1
        %or3A_181 = arith.constant false
        %or3A_182 = arith.ori %or3A_180, %or3A_181 : i1
        %or3A_183 = arith.ori %or3A_182, %eq3A_121 : i1
        %convert_element_type3A_184 = arith.extui %or3A_183 : i1 to i32
        %cond3A_185 = arith.constant 0 : i32
        %cond3A_186 = arith.cmpi ne, %convert_element_type3A_184, %cond3A_185 : i32
        scf.if %cond3A_186 {
        } else {
        }
        %rem3A_187 = arith.constant 2 : i32
        %rem3A_188 = arith.remui %scan3A_116, %rem3A_187 : i32
        %rem3A_189 = arith.constant 2 : i32
        %rem3A_190 = arith.remui %scan3A_117, %rem3A_189 : i32
        %run_scoped3A_191 = arith.constant 0 : i32
        "tpu.trace_start"() <{level = 10 : i32, message = "ep_run_kernel"}> : () -> ()
        "tpu.region"() ({
          %run_scoped3A_257 = tpu.sem_alloc : memref<!tpu.dma_semaphore, #tpu.memory_space<semaphore_mem>>
          %dma_start3A_258 = arith.constant 0 : i32
          %dma_start3A_259 = arith.constant 0 : i32
          %dma_start3A_260 = tpu.memref_slice %run_scoped3A_2[%rem3A_190, %dma_start3A_258, %dma_start3A_259] : memref<2x128x128xf32, #tpu.memory_space<vmem>> -> memref<1x128x128xf32, #tpu.memory_space<vmem>>
          %dma_start3A_261 = tpu.memref_squeeze %dma_start3A_260 : memref<1x128x128xf32, #tpu.memory_space<vmem>> -> memref<128x128xf32, #tpu.memory_space<vmem>>
          %dma_start3A_262 = arith.constant 0 : i32
          %dma_start3A_263 = arith.constant 0 : i32
          %dma_start3A_264 = tpu.memref_slice %run_scoped3A[%rem3A_188, %dma_start3A_262, %dma_start3A_263] : memref<2x1x128xi32, #tpu.memory_space<vmem>> -> memref<1x1x128xi32, #tpu.memory_space<vmem>>
          %dma_start3A_265 = tpu.memref_squeeze %dma_start3A_264 : memref<1x1x128xi32, #tpu.memory_space<vmem>> -> memref<1x128xi32, #tpu.memory_space<vmem>>
          %dma_start3A_266 = arith.constant 0 : i32
          %dma_start3A_267 = tpu.memref_slice %dma_start3A_265[%run_scoped3A_191, %dma_start3A_266] : memref<1x128xi32, #tpu.memory_space<vmem>> -> memref<1x128xi32, #tpu.memory_space<vmem>>
          %dma_start3A_268 = tpu.memref_squeeze %dma_start3A_267 : memref<1x128xi32, #tpu.memory_space<vmem>> -> memref<128xi32, #tpu.memory_space<vmem>>
          %dma_start3A_269 = arith.constant 0 : i32
          %dma_start3A_270 = arith.constant 0 : i32
          %dma_start3A_271 = tpu.memref_slice %arg2[%dma_start3A_269, %dma_start3A_270] : memref<65536x128xf32, #tpu.memory_space<hbm>> -> memref<65536x128xf32, #tpu.memory_space<hbm>>
          tpu.enqueue_indirect_dma source(%dma_start3A_271 : memref<65536x128xf32, #tpu.memory_space<hbm>>) target(%dma_start3A_261 : memref<128x128xf32, #tpu.memory_space<vmem>>) offsets(%dma_start3A_268 : memref<128xi32, #tpu.memory_space<vmem>>) semaphore(%run_scoped3A_257 : memref<!tpu.dma_semaphore, #tpu.memory_space<semaphore_mem>>)
          %dma_wait3A_272 = arith.constant 0 : i32
          %dma_wait3A_273 = arith.constant 0 : i32
          %dma_wait3A_274 = tpu.memref_slice %run_scoped3A_2[%rem3A_190, %dma_wait3A_272, %dma_wait3A_273] : memref<2x128x128xf32, #tpu.memory_space<vmem>> -> memref<1x128x128xf32, #tpu.memory_space<vmem>>
          %dma_wait3A_275 = tpu.memref_squeeze %dma_wait3A_274 : memref<1x128x128xf32, #tpu.memory_space<vmem>> -> memref<128x128xf32, #tpu.memory_space<vmem>>
          %dma_wait3A_276 = arith.constant 0 : i32
          %dma_wait3A_277 = arith.constant 0 : i32
          %dma_wait3A_278 = tpu.memref_slice %run_scoped3A[%rem3A_188, %dma_wait3A_276, %dma_wait3A_277] : memref<2x1x128xi32, #tpu.memory_space<vmem>> -> memref<1x1x128xi32, #tpu.memory_space<vmem>>
          %dma_wait3A_279 = tpu.memref_squeeze %dma_wait3A_278 : memref<1x1x128xi32, #tpu.memory_space<vmem>> -> memref<1x128xi32, #tpu.memory_space<vmem>>
          %dma_wait3A_280 = arith.constant 0 : i32
          %dma_wait3A_281 = tpu.memref_slice %dma_wait3A_279[%run_scoped3A_191, %dma_wait3A_280] : memref<1x128xi32, #tpu.memory_space<vmem>> -> memref<1x128xi32, #tpu.memory_space<vmem>>
          %dma_wait3A_282 = tpu.memref_squeeze %dma_wait3A_281 : memref<1x128xi32, #tpu.memory_space<vmem>> -> memref<128xi32, #tpu.memory_space<vmem>>
          %dma_wait3A_283 = arith.constant 0 : i32
          %dma_wait3A_284 = arith.constant 0 : i32
          %dma_wait3A_285 = tpu.memref_slice %arg2[%dma_wait3A_283, %dma_wait3A_284] : memref<65536x128xf32, #tpu.memory_space<hbm>> -> memref<65536x128xf32, #tpu.memory_space<hbm>>
          tpu.wait_indirect_dma semaphore(%run_scoped3A_257 : memref<!tpu.dma_semaphore, #tpu.memory_space<semaphore_mem>>) src(%dma_wait3A_285 : memref<65536x128xf32, #tpu.memory_space<hbm>>) dst(%dma_wait3A_275 : memref<128x128xf32, #tpu.memory_space<vmem>>)
          tpu.yield
        }) : () -> ()
        "tpu.trace_stop"() : () -> ()
        %ne3A_192 = arith.cmpi ne, %add3A_124, %add3A_142 : i32
        %or3A_193 = arith.constant false
        %or3A_194 = arith.ori %or3A_193, %ne3A_192 : i1
        %or3A_195 = arith.ori %or3A_194, %eq3A_123 : i1
        %convert_element_type3A_196 = arith.extui %or3A_195 : i1 to i32
        %cond3A_197 = arith.constant 0 : i32
        %cond3A_198 = arith.cmpi ne, %convert_element_type3A_196, %cond3A_197 : i32
        scf.if %cond3A_198 {
        } else {
        }
        %and3A_199 = arith.constant false
        %and3A_200 = arith.andi %or3A_195, %and3A_199 : i1
        %ne3A_201 = arith.cmpi ne, %add3A_124, %add3A_142 : i32
        %or3A_202 = arith.constant false
        %or3A_203 = arith.ori %or3A_202, %ne3A_201 : i1
        %or3A_204 = arith.constant false
        %or3A_205 = arith.ori %or3A_203, %or3A_204 : i1
        %or3A_206 = arith.ori %or3A_205, %eq3A_123 : i1
        %convert_element_type3A_207 = arith.extui %or3A_206 : i1 to i32
        %cond3A_208 = arith.constant 0 : i32
        %cond3A_209 = arith.cmpi ne, %convert_element_type3A_207, %cond3A_208 : i32
        scf.if %cond3A_209 {
          "tpu.trace_start"() <{level = 10 : i32, message = "ep_copy_out"}> : () -> ()
          %rem3A_257 = arith.constant 2 : i32
          %rem3A_258 = arith.remui %scan3A_117, %rem3A_257 : i32
          %mul3A_259 = arith.constant 128 : i32
          %mul3A_260 = arith.muli %mul3A_259, %add3A_124 : i32
          %dma_start3A_261 = arith.constant 0 : i32
          %dma_start3A_262 = arith.constant 0 : i32
          %dma_start3A_263 = tpu.memref_slice %run_scoped3A_2[%rem3A_258, %dma_start3A_261, %dma_start3A_262] : memref<2x128x128xf32, #tpu.memory_space<vmem>> -> memref<1x128x128xf32, #tpu.memory_space<vmem>>
          %dma_start3A_264 = tpu.memref_squeeze %dma_start3A_263 : memref<1x128x128xf32, #tpu.memory_space<vmem>> -> memref<128x128xf32, #tpu.memory_space<vmem>>
          %dma_start3A_265 = arith.constant 0 : i32
          %dma_start3A_266 = tpu.memref_slice %arg4[%mul3A_260, %dma_start3A_265] : memref<262144x128xf32, #tpu.memory_space<hbm>> -> memref<128x128xf32, #tpu.memory_space<hbm>>
          %dma_start3A_267 = tpu.memref_slice %run_scoped3A_3[%rem3A_258] : memref<2x!tpu.dma_semaphore, #tpu.memory_space<semaphore_mem>> -> memref<1x!tpu.dma_semaphore, #tpu.memory_space<semaphore_mem>>
          %dma_start3A_268 = tpu.memref_squeeze %dma_start3A_267 : memref<1x!tpu.dma_semaphore, #tpu.memory_space<semaphore_mem>> -> memref<!tpu.dma_semaphore, #tpu.memory_space<semaphore_mem>>
          %dma_start3A_269 = arith.constant 0 : i32
          %dma_start3A_270 = tpu.memref_slice %arg4[%mul3A_260, %dma_start3A_269] : memref<262144x128xf32, #tpu.memory_space<hbm>> -> memref<128x128xf32, #tpu.memory_space<hbm>>
          %dma_start3A_271 = arith.constant 0 : i32
          %dma_start3A_272 = arith.constant 0 : i32
          %dma_start3A_273 = tpu.memref_slice %run_scoped3A_2[%rem3A_258, %dma_start3A_271, %dma_start3A_272] : memref<2x128x128xf32, #tpu.memory_space<vmem>> -> memref<1x128x128xf32, #tpu.memory_space<vmem>>
          %dma_start3A_274 = tpu.memref_squeeze %dma_start3A_273 : memref<1x128x128xf32, #tpu.memory_space<vmem>> -> memref<128x128xf32, #tpu.memory_space<vmem>>
          tpu.enqueue_dma source(%dma_start3A_274 : memref<128x128xf32, #tpu.memory_space<vmem>>) target(%dma_start3A_270 : memref<128x128xf32, #tpu.memory_space<hbm>>) target_semaphore(%dma_start3A_268 : memref<!tpu.dma_semaphore, #tpu.memory_space<semaphore_mem>>)
          "tpu.trace_stop"() : () -> ()
        } else {
        }
        %and3A_210 = arith.constant true
        %and3A_211 = arith.andi %or3A_206, %and3A_210 : i1
        %add3A_212 = arith.constant 1 : i32
        %add3A_213 = arith.addi %scan3A_117, %add3A_212 : i32
        %select_n3A_214 = arith.select %and3A_211, %add3A_213, %scan3A_117 : i32
        %ne3A_215 = arith.cmpi ne, %add3A_124, %add3A_133 : i32
        %or3A_216 = arith.constant false
        %or3A_217 = arith.ori %or3A_216, %ne3A_215 : i1
        %not3A_218 = arith.constant true
        %not3A_219 = arith.xori %eq3A_121, %not3A_218 : i1
        %and3A_220 = arith.andi %or3A_217, %not3A_219 : i1
        %convert_element_type3A_221 = arith.extui %and3A_220 : i1 to i32
        %cond3A_222 = arith.constant 0 : i32
        %cond3A_223 = arith.cmpi ne, %convert_element_type3A_221, %cond3A_222 : i32
        scf.if %cond3A_223 {
        } else {
        }
        %and3A_224 = arith.constant false
        %and3A_225 = arith.andi %and3A_220, %and3A_224 : i1
        %ne3A_226 = arith.cmpi ne, %add3A_124, %add3A_133 : i32
        %or3A_227 = arith.constant false
        %or3A_228 = arith.ori %or3A_227, %ne3A_226 : i1
        %or3A_229 = arith.constant false
        %or3A_230 = arith.ori %or3A_228, %or3A_229 : i1
        %not3A_231 = arith.constant true
        %not3A_232 = arith.xori %eq3A_121, %not3A_231 : i1
        %and3A_233 = arith.andi %or3A_230, %not3A_232 : i1
        %convert_element_type3A_234 = arith.extui %and3A_233 : i1 to i32
        %cond3A_235 = arith.constant 0 : i32
        %cond3A_236 = arith.cmpi ne, %convert_element_type3A_234, %cond3A_235 : i32
        scf.if %cond3A_236 {
          "tpu.trace_start"() <{level = 10 : i32, message = "ep_wait_out"}> : () -> ()
          %rem3A_257 = arith.constant 2 : i32
          %rem3A_258 = arith.remui %scan3A_118, %rem3A_257 : i32
          %mul3A_259 = arith.constant 128 : i32
          %mul3A_260 = arith.muli %mul3A_259, %add3A_133 : i32
          %dma_wait3A_261 = arith.constant 0 : i32
          %dma_wait3A_262 = arith.constant 0 : i32
          %dma_wait3A_263 = tpu.memref_slice %run_scoped3A_2[%rem3A_258, %dma_wait3A_261, %dma_wait3A_262] : memref<2x128x128xf32, #tpu.memory_space<vmem>> -> memref<1x128x128xf32, #tpu.memory_space<vmem>>
          %dma_wait3A_264 = tpu.memref_squeeze %dma_wait3A_263 : memref<1x128x128xf32, #tpu.memory_space<vmem>> -> memref<128x128xf32, #tpu.memory_space<vmem>>
          %dma_wait3A_265 = arith.constant 0 : i32
          %dma_wait3A_266 = tpu.memref_slice %arg4[%mul3A_260, %dma_wait3A_265] : memref<262144x128xf32, #tpu.memory_space<hbm>> -> memref<128x128xf32, #tpu.memory_space<hbm>>
          %dma_wait3A_267 = tpu.memref_slice %run_scoped3A_3[%rem3A_258] : memref<2x!tpu.dma_semaphore, #tpu.memory_space<semaphore_mem>> -> memref<1x!tpu.dma_semaphore, #tpu.memory_space<semaphore_mem>>
          %dma_wait3A_268 = tpu.memref_squeeze %dma_wait3A_267 : memref<1x!tpu.dma_semaphore, #tpu.memory_space<semaphore_mem>> -> memref<!tpu.dma_semaphore, #tpu.memory_space<semaphore_mem>>
          %dma_wait3A_269 = arith.constant 0 : i32
          %dma_wait3A_270 = tpu.memref_slice %arg4[%mul3A_260, %dma_wait3A_269] : memref<262144x128xf32, #tpu.memory_space<hbm>> -> memref<128x128xf32, #tpu.memory_space<hbm>>
          %dma_wait3A_271 = arith.constant 0 : i32
          %dma_wait3A_272 = arith.constant 0 : i32
          %dma_wait3A_273 = tpu.memref_slice %run_scoped3A_2[%rem3A_258, %dma_wait3A_271, %dma_wait3A_272] : memref<2x128x128xf32, #tpu.memory_space<vmem>> -> memref<1x128x128xf32, #tpu.memory_space<vmem>>
          %dma_wait3A_274 = tpu.memref_squeeze %dma_wait3A_273 : memref<1x128x128xf32, #tpu.memory_space<vmem>> -> memref<128x128xf32, #tpu.memory_space<vmem>>
          tpu.wait_dma2 semaphore(%dma_wait3A_268 : memref<!tpu.dma_semaphore, #tpu.memory_space<semaphore_mem>>) src(%dma_wait3A_274 : memref<128x128xf32, #tpu.memory_space<vmem>>) dst(%dma_wait3A_270 : memref<128x128xf32, #tpu.memory_space<hbm>>)
          "tpu.trace_stop"() : () -> ()
        } else {
        }
        %and3A_237 = arith.constant true
        %and3A_238 = arith.andi %and3A_233, %and3A_237 : i1
        %add3A_239 = arith.constant 1 : i32
        %add3A_240 = arith.addi %scan3A_118, %add3A_239 : i32
        %select_n3A_241 = arith.select %and3A_238, %add3A_240, %scan3A_118 : i32
        %ne3A_242 = arith.cmpi ne, %add3A_124, %add3A_142 : i32
        %or3A_243 = arith.constant false
        %or3A_244 = arith.ori %or3A_243, %ne3A_242 : i1
        %or3A_245 = arith.ori %or3A_244, %eq3A_123 : i1
        %add3A_246 = arith.constant 1 : i32
        %add3A_247 = arith.addi %scan3A_116, %add3A_246 : i32
        %select_n3A_248 = arith.select %or3A_245, %add3A_247, %scan3A_116 : i32
        %add3A_249 = arith.constant 1 : i32
        %add3A_250 = arith.addi %scan3A_119, %add3A_249 : i32
        %select_n3A_251 = arith.constant true
        %select_n3A_252 = arith.select %select_n3A_251, %add3A_250, %scan3A_119 : i32
        %eq3A_253 = arith.constant 128 : i32
        %eq3A_254 = arith.cmpi eq, %select_n3A_252, %eq3A_253 : i32
        %select_n3A_255 = arith.constant 0 : i32
        %select_n3A_256 = arith.select %eq3A_254, %select_n3A_255, %select_n3A_252 : i32
        scf.yield %select_n3A_160, %select_n3A_248, %select_n3A_214, %select_n3A_241, %select_n3A_256 : i32, i32, i32, i32, i32
      }
      %scan3A_61 = arith.constant 128 : i32
      %sub3A = arith.constant 1 : i32
      %sub3A_62 = arith.subi %scan3A_60#4, %sub3A : i32
      %select_n3A_63 = arith.constant true
      %select_n3A_64 = arith.select %select_n3A_63, %sub3A_62, %scan3A_60#4 : i32
      %eq3A_65 = arith.constant -1 : i32
      %eq3A_66 = arith.cmpi eq, %select_n3A_64, %eq3A_65 : i32
      %select_n3A_67 = arith.constant 127 : i32
      %select_n3A_68 = arith.select %eq3A_66, %select_n3A_67, %select_n3A_64 : i32
      %add3A_69 = arith.addi %select_n3A_68, %mul3A_0 : i32
      %sub3A_70 = arith.constant 1 : i32
      %sub3A_71 = arith.subi %select_n3A_68, %sub3A_70 : i32
      %select_n3A_72 = arith.constant true
      %select_n3A_73 = arith.select %select_n3A_72, %sub3A_71, %select_n3A_68 : i32
      %eq3A_74 = arith.constant -1 : i32
      %eq3A_75 = arith.cmpi eq, %select_n3A_73, %eq3A_74 : i32
      %select_n3A_76 = arith.constant 127 : i32
      %select_n3A_77 = arith.select %eq3A_75, %select_n3A_76, %select_n3A_73 : i32
      %add3A_78 = arith.addi %select_n3A_77, %mul3A_0 : i32
      %add3A_79 = arith.constant 1 : i32
      %add3A_80 = arith.addi %select_n3A_68, %add3A_79 : i32
      %select_n3A_81 = arith.constant true
      %select_n3A_82 = arith.select %select_n3A_81, %add3A_80, %select_n3A_68 : i32
      %eq3A_83 = arith.constant 128 : i32
      %eq3A_84 = arith.cmpi eq, %select_n3A_82, %eq3A_83 : i32
      %select_n3A_85 = arith.constant 0 : i32
      %select_n3A_86 = arith.select %eq3A_84, %select_n3A_85, %select_n3A_82 : i32
      %add3A_87 = arith.addi %select_n3A_86, %mul3A_0 : i32
      %add3A_88 = arith.constant 1 : i32
      %add3A_89 = arith.addi %select_n3A_86, %add3A_88 : i32
      %select_n3A_90 = arith.constant true
      %select_n3A_91 = arith.select %select_n3A_90, %add3A_89, %select_n3A_86 : i32
      %eq3A_92 = arith.constant 128 : i32
      %eq3A_93 = arith.cmpi eq, %select_n3A_91, %eq3A_92 : i32
      %select_n3A_94 = arith.constant 0 : i32
      %select_n3A_95 = arith.select %eq3A_93, %select_n3A_94, %select_n3A_91 : i32
      %add3A_96 = arith.addi %select_n3A_95, %mul3A_0 : i32
      "tpu.trace_start"() <{level = 10 : i32, message = "ep_finalize"}> : () -> ()
      %rem3A_97 = arith.constant 2 : i32
      %rem3A_98 = arith.remui %scan3A_60#3, %rem3A_97 : i32
      %mul3A_99 = arith.constant 128 : i32
      %mul3A_100 = arith.muli %mul3A_99, %add3A_69 : i32
      %dma_wait3A = arith.constant 0 : i32
      %dma_wait3A_101 = arith.constant 0 : i32
      %dma_wait3A_102 = tpu.memref_slice %run_scoped3A_2[%rem3A_98, %dma_wait3A, %dma_wait3A_101] : memref<2x128x128xf32, #tpu.memory_space<vmem>> -> memref<1x128x128xf32, #tpu.memory_space<vmem>>
      %dma_wait3A_103 = tpu.memref_squeeze %dma_wait3A_102 : memref<1x128x128xf32, #tpu.memory_space<vmem>> -> memref<128x128xf32, #tpu.memory_space<vmem>>
      %dma_wait3A_104 = arith.constant 0 : i32
      %dma_wait3A_105 = tpu.memref_slice %arg4[%mul3A_100, %dma_wait3A_104] : memref<262144x128xf32, #tpu.memory_space<hbm>> -> memref<128x128xf32, #tpu.memory_space<hbm>>
      %dma_wait3A_106 = tpu.memref_slice %run_scoped3A_3[%rem3A_98] : memref<2x!tpu.dma_semaphore, #tpu.memory_space<semaphore_mem>> -> memref<1x!tpu.dma_semaphore, #tpu.memory_space<semaphore_mem>>
      %dma_wait3A_107 = tpu.memref_squeeze %dma_wait3A_106 : memref<1x!tpu.dma_semaphore, #tpu.memory_space<semaphore_mem>> -> memref<!tpu.dma_semaphore, #tpu.memory_space<semaphore_mem>>
      %dma_wait3A_108 = arith.constant 0 : i32
      %dma_wait3A_109 = tpu.memref_slice %arg4[%mul3A_100, %dma_wait3A_108] : memref<262144x128xf32, #tpu.memory_space<hbm>> -> memref<128x128xf32, #tpu.memory_space<hbm>>
      %dma_wait3A_110 = arith.constant 0 : i32
      %dma_wait3A_111 = arith.constant 0 : i32
      %dma_wait3A_112 = tpu.memref_slice %run_scoped3A_2[%rem3A_98, %dma_wait3A_110, %dma_wait3A_111] : memref<2x128x128xf32, #tpu.memory_space<vmem>> -> memref<1x128x128xf32, #tpu.memory_space<vmem>>
      %dma_wait3A_113 = tpu.memref_squeeze %dma_wait3A_112 : memref<1x128x128xf32, #tpu.memory_space<vmem>> -> memref<128x128xf32, #tpu.memory_space<vmem>>
      tpu.wait_dma2 semaphore(%dma_wait3A_107 : memref<!tpu.dma_semaphore, #tpu.memory_space<semaphore_mem>>) src(%dma_wait3A_113 : memref<128x128xf32, #tpu.memory_space<vmem>>) dst(%dma_wait3A_109 : memref<128x128xf32, #tpu.memory_space<hbm>>)
      "tpu.trace_stop"() : () -> ()
      tpu.yield
    }) : () -> ()
    return
  }
}

module attributes {stable_mosaic.version = 14 : i64} {
  func.func @_fps_kernel(%arg0: memref<16x3x4096xf32, #tpu.memory_space<vmem>>, %arg1: memref<1024x16xi32, #tpu.memory_space<vmem>>, %arg2: memref<1024x16xf32, #tpu.memory_space<vmem>>, %arg3: memref<1024x16xf32, #tpu.memory_space<vmem>>, %arg4: memref<1024x16xf32, #tpu.memory_space<vmem>>, %arg5: memref<16x4096xf32, #tpu.memory_space<vmem>>) attributes {dimension_semantics = [], scalar_prefetch = 0 : i64, scratch_operands = 1 : i64, tpu.core_type = #tpu.core_type<tc>} {
    %get3A = arith.constant 0 : index
    %get3A_0 = arith.constant 0 : index
    %get3A_1 = arith.constant 0 : index
    %get3A_2 = vector.load %arg0[%get3A, %get3A_0, %get3A_1] : memref<16x3x4096xf32, #tpu.memory_space<vmem>>, vector<16x1x4096xf32>
    %get3A_3 = vector.shape_cast %get3A_2 : vector<16x1x4096xf32> to vector<16x4096xf32>
    %get3A_4 = arith.constant 0 : index
    %get3A_5 = arith.constant 1 : index
    %get3A_6 = arith.constant 0 : index
    %get3A_7 = vector.load %arg0[%get3A_4, %get3A_5, %get3A_6] : memref<16x3x4096xf32, #tpu.memory_space<vmem>>, vector<16x1x4096xf32>
    %get3A_8 = vector.shape_cast %get3A_7 : vector<16x1x4096xf32> to vector<16x4096xf32>
    %get3A_9 = arith.constant 0 : index
    %get3A_10 = arith.constant 2 : index
    %get3A_11 = arith.constant 0 : index
    %get3A_12 = vector.load %arg0[%get3A_9, %get3A_10, %get3A_11] : memref<16x3x4096xf32, #tpu.memory_space<vmem>>, vector<16x1x4096xf32>
    %get3A_13 = vector.shape_cast %get3A_12 : vector<16x1x4096xf32> to vector<16x4096xf32>
    %iota3A = tpu.iota {dimensions = array<i32: 1>} : vector<16x4096xi32>
    %broadcast_in_dim3A = arith.constant 1.000000e+10 : f32
    %broadcast_in_dim3A_14 = vector.broadcast %broadcast_in_dim3A : f32 to vector<16x4096xf32>
    %swap3A = arith.constant 0 : index
    %swap3A_15 = arith.constant 0 : index
    %swap3A_16 = vector.load %arg5[%swap3A, %swap3A_15] : memref<16x4096xf32, #tpu.memory_space<vmem>>, vector<16x4096xf32>
    tpu.vector_store %arg5[%swap3A, %swap3A_15], %broadcast_in_dim3A_14 {strides = array<i32>} : memref<16x4096xf32, #tpu.memory_space<vmem>>, vector<16x4096xf32>,
    %broadcast_in_dim3A_17 = arith.constant 0 : i32
    %broadcast_in_dim3A_18 = vector.broadcast %broadcast_in_dim3A_17 : i32 to vector<16xi32>
    %scan3A = arith.constant 0 : i32
    %scan3A_19 = arith.constant 1024 : i32
    %scan3A_20 = arith.addi %scan3A, %scan3A_19 : i32
    %scan3A_21 = arith.constant 1 : i32
    %scan3A_22 = scf.for %scan3A_24 = %scan3A to %scan3A_20 step %scan3A_21 iter_args(%scan3A_25 = %broadcast_in_dim3A_18) -> (vector<16xi32>)  : i32 {
      %broadcast_in_dim3A_26 = vector.shape_cast %scan3A_25 : vector<16xi32> to vector<1x16xi32>
      %swap3A_27 = arith.index_cast %scan3A_24 : i32 to index
      %swap3A_28 = arith.constant 0 : index
      %swap3A_29 = vector.load %arg1[%swap3A_27, %swap3A_28] : memref<1024x16xi32, #tpu.memory_space<vmem>>, vector<1x16xi32>
      tpu.vector_store %arg1[%swap3A_27, %swap3A_28], %broadcast_in_dim3A_26 {strides = array<i32>} : memref<1024x16xi32, #tpu.memory_space<vmem>>, vector<1x16xi32>,
      %broadcast_in_dim3A_30 = vector.shape_cast %scan3A_25 : vector<16xi32> to vector<16x1xi32>
      %eq3A = vector.broadcast %broadcast_in_dim3A_30 : vector<16x1xi32> to vector<16x4096xi32>
      %eq3A_31 = arith.cmpi eq, %iota3A, %eq3A : vector<16x4096xi32>
      %jit3A = arith.constant 0.000000e+00 : f32
      %broadcast_in_dim3A_32 = vector.broadcast %jit3A : f32 to vector<16x4096xf32>
      %select_n3A = arith.select %eq3A_31, %get3A_3, %broadcast_in_dim3A_32 : vector<16x4096xi1>, vector<16x4096xf32>
      %reduce_sum3A = arith.constant dense<0.000000e+00> : vector<16xf32>
      %reduce_sum3A_33 = vector.multi_reduction <add>, %select_n3A, %reduce_sum3A [1] : vector<16x4096xf32> to vector<16xf32>
      %jit3A_34 = arith.constant 0.000000e+00 : f32
      %broadcast_in_dim3A_35 = vector.broadcast %jit3A_34 : f32 to vector<16x4096xf32>
      %select_n3A_36 = arith.select %eq3A_31, %get3A_8, %broadcast_in_dim3A_35 : vector<16x4096xi1>, vector<16x4096xf32>
      %reduce_sum3A_37 = arith.constant dense<0.000000e+00> : vector<16xf32>
      %reduce_sum3A_38 = vector.multi_reduction <add>, %select_n3A_36, %reduce_sum3A_37 [1] : vector<16x4096xf32> to vector<16xf32>
      %jit3A_39 = arith.constant 0.000000e+00 : f32
      %broadcast_in_dim3A_40 = vector.broadcast %jit3A_39 : f32 to vector<16x4096xf32>
      %select_n3A_41 = arith.select %eq3A_31, %get3A_13, %broadcast_in_dim3A_40 : vector<16x4096xi1>, vector<16x4096xf32>
      %reduce_sum3A_42 = arith.constant dense<0.000000e+00> : vector<16xf32>
      %reduce_sum3A_43 = vector.multi_reduction <add>, %select_n3A_41, %reduce_sum3A_42 [1] : vector<16x4096xf32> to vector<16xf32>
      %broadcast_in_dim3A_44 = vector.shape_cast %reduce_sum3A_33 : vector<16xf32> to vector<1x16xf32>
      %swap3A_45 = arith.index_cast %scan3A_24 : i32 to index
      %swap3A_46 = arith.constant 0 : index
      %swap3A_47 = vector.load %arg2[%swap3A_45, %swap3A_46] : memref<1024x16xf32, #tpu.memory_space<vmem>>, vector<1x16xf32>
      tpu.vector_store %arg2[%swap3A_45, %swap3A_46], %broadcast_in_dim3A_44 {strides = array<i32>} : memref<1024x16xf32, #tpu.memory_space<vmem>>, vector<1x16xf32>,
      %broadcast_in_dim3A_48 = vector.shape_cast %reduce_sum3A_38 : vector<16xf32> to vector<1x16xf32>
      %swap3A_49 = arith.index_cast %scan3A_24 : i32 to index
      %swap3A_50 = arith.constant 0 : index
      %swap3A_51 = vector.load %arg3[%swap3A_49, %swap3A_50] : memref<1024x16xf32, #tpu.memory_space<vmem>>, vector<1x16xf32>
      tpu.vector_store %arg3[%swap3A_49, %swap3A_50], %broadcast_in_dim3A_48 {strides = array<i32>} : memref<1024x16xf32, #tpu.memory_space<vmem>>, vector<1x16xf32>,
      %broadcast_in_dim3A_52 = vector.shape_cast %reduce_sum3A_43 : vector<16xf32> to vector<1x16xf32>
      %swap3A_53 = arith.index_cast %scan3A_24 : i32 to index
      %swap3A_54 = arith.constant 0 : index
      %swap3A_55 = vector.load %arg4[%swap3A_53, %swap3A_54] : memref<1024x16xf32, #tpu.memory_space<vmem>>, vector<1x16xf32>
      tpu.vector_store %arg4[%swap3A_53, %swap3A_54], %broadcast_in_dim3A_52 {strides = array<i32>} : memref<1024x16xf32, #tpu.memory_space<vmem>>, vector<1x16xf32>,
      %broadcast_in_dim3A_56 = vector.shape_cast %reduce_sum3A_33 : vector<16xf32> to vector<16x1xf32>
      %sub3A = vector.broadcast %broadcast_in_dim3A_56 : vector<16x1xf32> to vector<16x4096xf32>
      %sub3A_57 = arith.subf %get3A_3, %sub3A : vector<16x4096xf32>
      %broadcast_in_dim3A_58 = vector.shape_cast %reduce_sum3A_38 : vector<16xf32> to vector<16x1xf32>
      %sub3A_59 = vector.broadcast %broadcast_in_dim3A_58 : vector<16x1xf32> to vector<16x4096xf32>
      %sub3A_60 = arith.subf %get3A_8, %sub3A_59 : vector<16x4096xf32>
      %broadcast_in_dim3A_61 = vector.shape_cast %reduce_sum3A_43 : vector<16xf32> to vector<16x1xf32>
      %sub3A_62 = vector.broadcast %broadcast_in_dim3A_61 : vector<16x1xf32> to vector<16x4096xf32>
      %sub3A_63 = arith.subf %get3A_13, %sub3A_62 : vector<16x4096xf32>
      %mul3A = arith.mulf %sub3A_57, %sub3A_57 : vector<16x4096xf32>
      %mul3A_64 = arith.mulf %sub3A_60, %sub3A_60 : vector<16x4096xf32>
      %add3A = arith.addf %mul3A, %mul3A_64 : vector<16x4096xf32>
      %mul3A_65 = arith.mulf %sub3A_63, %sub3A_63 : vector<16x4096xf32>
      %add3A_66 = arith.addf %add3A, %mul3A_65 : vector<16x4096xf32>
      %get3A_67 = arith.constant 0 : index
      %get3A_68 = arith.constant 0 : index
      %get3A_69 = vector.load %arg5[%get3A_67, %get3A_68] : memref<16x4096xf32, #tpu.memory_space<vmem>>, vector<16x4096xf32>
      %min3A = arith.minimumf %get3A_69, %add3A_66 : vector<16x4096xf32>
      %swap3A_70 = arith.constant 0 : index
      %swap3A_71 = arith.constant 0 : index
      %swap3A_72 = vector.load %arg5[%swap3A_70, %swap3A_71] : memref<16x4096xf32, #tpu.memory_space<vmem>>, vector<16x4096xf32>
      tpu.vector_store %arg5[%swap3A_70, %swap3A_71], %min3A {strides = array<i32>} : memref<16x4096xf32, #tpu.memory_space<vmem>>, vector<16x4096xf32>,
      %reduce_max3A = arith.constant dense<0xFF800000> : vector<16xf32>
      %reduce_max3A_73 = vector.multi_reduction <maximumf>, %min3A, %reduce_max3A [1] : vector<16x4096xf32> to vector<16xf32>
      %broadcast_in_dim3A_74 = vector.shape_cast %reduce_max3A_73 : vector<16xf32> to vector<16x1xf32>
      %eq3A_75 = vector.broadcast %broadcast_in_dim3A_74 : vector<16x1xf32> to vector<16x4096xf32>
      %eq3A_76 = arith.cmpf oeq, %min3A, %eq3A_75 : vector<16x4096xf32>
      %jit3A_77 = arith.constant 4096 : i32
      %broadcast_in_dim3A_78 = vector.broadcast %jit3A_77 : i32 to vector<16x4096xi32>
      %select_n3A_79 = arith.select %eq3A_76, %iota3A, %broadcast_in_dim3A_78 : vector<16x4096xi1>, vector<16x4096xi32>
      %reduce_min3A = arith.constant dense<2147483647> : vector<16xi32>
      %reduce_min3A_80 = vector.multi_reduction <minsi>, %select_n3A_79, %reduce_min3A [1] : vector<16x4096xi32> to vector<16xi32>
      scf.yield %reduce_min3A_80 : vector<16xi32>
    }
    %scan3A_23 = arith.constant 1024 : i32
    return
  }
}

module attributes {stable_mosaic.version = 14 : i64} {
  func.func @_knn_kernel(%arg0: i32, %arg1: i32, %arg2: memref<1x3x4096xf32, #tpu.memory_space<vmem>>, %arg3: memref<1x3x256xf32, #tpu.memory_space<vmem>>, %arg4: memref<1x256x16xi32, #tpu.memory_space<vmem>>, %arg5: memref<256x4096xf32, #tpu.memory_space<vmem>>) attributes {dimension_semantics = [#tpu.dimension_semantics<arbitrary>, #tpu.dimension_semantics<arbitrary>], iteration_bounds = array<i64: 16, 4>, scalar_prefetch = 0 : i64, scratch_operands = 1 : i64, tpu.core_type = #tpu.core_type<tc>, window_params = [{transform_indices = @transform_0, window_bounds = array<i64: 1, 3, 4096>}, {transform_indices = @transform_1, window_bounds = array<i64: 1, 3, 256>}, {transform_indices = @transform_2, window_bounds = array<i64: 1, 256, 16>}]} {
    %get3A = arith.constant 0 : index
    %get3A_0 = arith.constant 0 : index
    %get3A_1 = arith.constant 0 : index
    %get3A_2 = vector.load %arg2[%get3A, %get3A_0, %get3A_1] : memref<1x3x4096xf32, #tpu.memory_space<vmem>>, vector<1x3x4096xf32>
    %get3A_3 = vector.shape_cast %get3A_2 : vector<1x3x4096xf32> to vector<3x4096xf32>
    %get3A_4 = arith.constant 0 : index
    %get3A_5 = arith.constant 0 : index
    %get3A_6 = arith.constant 0 : index
    %get3A_7 = vector.load %arg3[%get3A_4, %get3A_5, %get3A_6] : memref<1x3x256xf32, #tpu.memory_space<vmem>>, vector<1x3x256xf32>
    %get3A_8 = vector.shape_cast %get3A_7 : vector<1x3x256xf32> to vector<3x256xf32>
    %mul3A = arith.mulf %get3A_3, %get3A_3 : vector<3x4096xf32>
    %reduce_sum3A = arith.constant dense<0.000000e+00> : vector<4096xf32>
    %reduce_sum3A_9 = vector.multi_reduction <add>, %mul3A, %reduce_sum3A [0] : vector<3x4096xf32> to vector<4096xf32>
    %broadcast_in_dim3A = vector.shape_cast %reduce_sum3A_9 : vector<4096xf32> to vector<1x4096xf32>
    %mul3A_10 = arith.mulf %get3A_8, %get3A_8 : vector<3x256xf32>
    %reduce_sum3A_11 = arith.constant dense<0.000000e+00> : vector<256xf32>
    %reduce_sum3A_12 = vector.multi_reduction <add>, %mul3A_10, %reduce_sum3A_11 [0] : vector<3x256xf32> to vector<256xf32>
    %dot_general3A = arith.constant dense<0.000000e+00> : vector<256x4096xf32>
    %dot_general3A_13 = tpu.matmul %get3A_8, %get3A_3, %dot_general3A {dimension_numbers = #tpu.dot_dimension_numbers<[0], [0], [1], [1], [0, 1, 1, 1], [], []>, transpose_lhs_hint = false} : vector<3x256xf32>, vector<3x4096xf32>, vector<256x4096xf32> -> vector<256x4096xf32>
    %broadcast_in_dim3A_14 = vector.shape_cast %reduce_sum3A_12 : vector<256xf32> to vector<256x1xf32>
    %add3A = vector.broadcast %broadcast_in_dim3A_14 : vector<256x1xf32> to vector<256x4096xf32>
    %add3A_15 = vector.broadcast %broadcast_in_dim3A : vector<1x4096xf32> to vector<256x4096xf32>
    %add3A_16 = arith.addf %add3A, %add3A_15 : vector<256x4096xf32>
    %mul3A_17 = arith.constant 2.000000e+00 : f32
    %mul3A_18 = vector.broadcast %mul3A_17 : f32 to vector<256x4096xf32>
    %mul3A_19 = arith.mulf %mul3A_18, %dot_general3A_13 : vector<256x4096xf32>
    %sub3A = arith.subf %add3A_16, %mul3A_19 : vector<256x4096xf32>
    %swap3A = arith.constant 0 : index
    %swap3A_20 = arith.constant 0 : index
    %swap3A_21 = vector.load %arg5[%swap3A, %swap3A_20] : memref<256x4096xf32, #tpu.memory_space<vmem>>, vector<256x4096xf32>
    tpu.vector_store %arg5[%swap3A, %swap3A_20], %sub3A {strides = array<i32>} : memref<256x4096xf32, #tpu.memory_space<vmem>>, vector<256x4096xf32>,
    %iota3A = tpu.iota {dimensions = array<i32: 1>} : vector<256x4096xi32>
    %mul3A_22 = arith.constant 4096 : i32
    %mul3A_23 = arith.muli %arg0, %mul3A_22 : i32
    %get3A_24 = arith.constant 0 : index
    %get3A_25 = arith.constant 0 : index
    %get3A_26 = vector.load %arg5[%get3A_24, %get3A_25] : memref<256x4096xf32, #tpu.memory_space<vmem>>, vector<256x4096xf32>
    %reduce_min3A = arith.constant dense<0x7F800000> : vector<256xf32>
    %reduce_min3A_27 = vector.multi_reduction <minimumf>, %get3A_26, %reduce_min3A [1] : vector<256x4096xf32> to vector<256xf32>
    %broadcast_in_dim3A_28 = vector.shape_cast %reduce_min3A_27 : vector<256xf32> to vector<256x1xf32>
    %eq3A = vector.broadcast %broadcast_in_dim3A_28 : vector<256x1xf32> to vector<256x4096xf32>
    %eq3A_29 = arith.cmpf oeq, %get3A_26, %eq3A : vector<256x4096xf32>
    %jit3A = arith.constant 4096 : i32
    %broadcast_in_dim3A_30 = vector.broadcast %jit3A : i32 to vector<256x4096xi32>
    %select_n3A = arith.select %eq3A_29, %iota3A, %broadcast_in_dim3A_30 : vector<256x4096xi1>, vector<256x4096xi32>
    %reduce_min3A_31 = arith.constant dense<2147483647> : vector<256xi32>
    %reduce_min3A_32 = vector.multi_reduction <minsi>, %select_n3A, %reduce_min3A_31 [1] : vector<256x4096xi32> to vector<256xi32>
    %add3A_33 = vector.broadcast %mul3A_23 : i32 to vector<256xi32>
    %add3A_34 = arith.addi %reduce_min3A_32, %add3A_33 : vector<256xi32>
    %swap3A_35 = arith.constant 0 : index
    %swap3A_36 = arith.constant 0 : index
    %swap3A_37 = arith.constant 0 : index
    %swap3A_38 = vector.load %arg4[%swap3A_35, %swap3A_36, %swap3A_37] : memref<1x256x16xi32, #tpu.memory_space<vmem>>, vector<1x256x1xi32>
    %swap3A_39 = vector.shape_cast %swap3A_38 : vector<1x256x1xi32> to vector<256xi32>
    %swap3A_40 = vector.shape_cast %add3A_34 : vector<256xi32> to vector<1x256x1xi32>
    tpu.vector_store %arg4[%swap3A_35, %swap3A_36, %swap3A_37], %swap3A_40 {strides = array<i32>} : memref<1x256x16xi32, #tpu.memory_space<vmem>>, vector<1x256x1xi32>,
    %broadcast_in_dim3A_41 = vector.shape_cast %reduce_min3A_32 : vector<256xi32> to vector<256x1xi32>
    %eq3A_42 = vector.broadcast %broadcast_in_dim3A_41 : vector<256x1xi32> to vector<256x4096xi32>
    %eq3A_43 = arith.cmpi eq, %iota3A, %eq3A_42 : vector<256x4096xi32>
    %jit3A_44 = arith.constant 3.000000e+38 : f32
    %broadcast_in_dim3A_45 = vector.broadcast %jit3A_44 : f32 to vector<256x4096xf32>
    %select_n3A_46 = arith.select %eq3A_43, %broadcast_in_dim3A_45, %get3A_26 : vector<256x4096xi1>, vector<256x4096xf32>
    %swap3A_47 = arith.constant 0 : index
    %swap3A_48 = arith.constant 0 : index
    %swap3A_49 = vector.load %arg5[%swap3A_47, %swap3A_48] : memref<256x4096xf32, #tpu.memory_space<vmem>>, vector<256x4096xf32>
    tpu.vector_store %arg5[%swap3A_47, %swap3A_48], %select_n3A_46 {strides = array<i32>} : memref<256x4096xf32, #tpu.memory_space<vmem>>, vector<256x4096xf32>,
    %get3A_50 = arith.constant 0 : index
    %get3A_51 = arith.constant 0 : index
    %get3A_52 = vector.load %arg5[%get3A_50, %get3A_51] : memref<256x4096xf32, #tpu.memory_space<vmem>>, vector<256x4096xf32>
    %reduce_min3A_53 = arith.constant dense<0x7F800000> : vector<256xf32>
    %reduce_min3A_54 = vector.multi_reduction <minimumf>, %get3A_52, %reduce_min3A_53 [1] : vector<256x4096xf32> to vector<256xf32>
    %broadcast_in_dim3A_55 = vector.shape_cast %reduce_min3A_54 : vector<256xf32> to vector<256x1xf32>
    %eq3A_56 = vector.broadcast %broadcast_in_dim3A_55 : vector<256x1xf32> to vector<256x4096xf32>
    %eq3A_57 = arith.cmpf oeq, %get3A_52, %eq3A_56 : vector<256x4096xf32>
    %jit3A_58 = arith.constant 4096 : i32
    %broadcast_in_dim3A_59 = vector.broadcast %jit3A_58 : i32 to vector<256x4096xi32>
    %select_n3A_60 = arith.select %eq3A_57, %iota3A, %broadcast_in_dim3A_59 : vector<256x4096xi1>, vector<256x4096xi32>
    %reduce_min3A_61 = arith.constant dense<2147483647> : vector<256xi32>
    %reduce_min3A_62 = vector.multi_reduction <minsi>, %select_n3A_60, %reduce_min3A_61 [1] : vector<256x4096xi32> to vector<256xi32>
    %add3A_63 = vector.broadcast %mul3A_23 : i32 to vector<256xi32>
    %add3A_64 = arith.addi %reduce_min3A_62, %add3A_63 : vector<256xi32>
    %swap3A_65 = arith.constant 0 : index
    %swap3A_66 = arith.constant 0 : index
    %swap3A_67 = arith.constant 1 : index
    %swap3A_68 = vector.load %arg4[%swap3A_65, %swap3A_66, %swap3A_67] : memref<1x256x16xi32, #tpu.memory_space<vmem>>, vector<1x256x1xi32>
    %swap3A_69 = vector.shape_cast %swap3A_68 : vector<1x256x1xi32> to vector<256xi32>
    %swap3A_70 = vector.shape_cast %add3A_64 : vector<256xi32> to vector<1x256x1xi32>
    tpu.vector_store %arg4[%swap3A_65, %swap3A_66, %swap3A_67], %swap3A_70 {strides = array<i32>} : memref<1x256x16xi32, #tpu.memory_space<vmem>>, vector<1x256x1xi32>,
    %broadcast_in_dim3A_71 = vector.shape_cast %reduce_min3A_62 : vector<256xi32> to vector<256x1xi32>
    %eq3A_72 = vector.broadcast %broadcast_in_dim3A_71 : vector<256x1xi32> to vector<256x4096xi32>
    %eq3A_73 = arith.cmpi eq, %iota3A, %eq3A_72 : vector<256x4096xi32>
    %jit3A_74 = arith.constant 3.000000e+38 : f32
    %broadcast_in_dim3A_75 = vector.broadcast %jit3A_74 : f32 to vector<256x4096xf32>
    %select_n3A_76 = arith.select %eq3A_73, %broadcast_in_dim3A_75, %get3A_52 : vector<256x4096xi1>, vector<256x4096xf32>
    %swap3A_77 = arith.constant 0 : index
    %swap3A_78 = arith.constant 0 : index
    %swap3A_79 = vector.load %arg5[%swap3A_77, %swap3A_78] : memref<256x4096xf32, #tpu.memory_space<vmem>>, vector<256x4096xf32>
    tpu.vector_store %arg5[%swap3A_77, %swap3A_78], %select_n3A_76 {strides = array<i32>} : memref<256x4096xf32, #tpu.memory_space<vmem>>, vector<256x4096xf32>,
    %get3A_80 = arith.constant 0 : index
    %get3A_81 = arith.constant 0 : index
    %get3A_82 = vector.load %arg5[%get3A_80, %get3A_81] : memref<256x4096xf32, #tpu.memory_space<vmem>>, vector<256x4096xf32>
    %reduce_min3A_83 = arith.constant dense<0x7F800000> : vector<256xf32>
    %reduce_min3A_84 = vector.multi_reduction <minimumf>, %get3A_82, %reduce_min3A_83 [1] : vector<256x4096xf32> to vector<256xf32>
    %broadcast_in_dim3A_85 = vector.shape_cast %reduce_min3A_84 : vector<256xf32> to vector<256x1xf32>
    %eq3A_86 = vector.broadcast %broadcast_in_dim3A_85 : vector<256x1xf32> to vector<256x4096xf32>
    %eq3A_87 = arith.cmpf oeq, %get3A_82, %eq3A_86 : vector<256x4096xf32>
    %jit3A_88 = arith.constant 4096 : i32
    %broadcast_in_dim3A_89 = vector.broadcast %jit3A_88 : i32 to vector<256x4096xi32>
    %select_n3A_90 = arith.select %eq3A_87, %iota3A, %broadcast_in_dim3A_89 : vector<256x4096xi1>, vector<256x4096xi32>
    %reduce_min3A_91 = arith.constant dense<2147483647> : vector<256xi32>
    %reduce_min3A_92 = vector.multi_reduction <minsi>, %select_n3A_90, %reduce_min3A_91 [1] : vector<256x4096xi32> to vector<256xi32>
    %add3A_93 = vector.broadcast %mul3A_23 : i32 to vector<256xi32>
    %add3A_94 = arith.addi %reduce_min3A_92, %add3A_93 : vector<256xi32>
    %swap3A_95 = arith.constant 0 : index
    %swap3A_96 = arith.constant 0 : index
    %swap3A_97 = arith.constant 2 : index
    %swap3A_98 = vector.load %arg4[%swap3A_95, %swap3A_96, %swap3A_97] : memref<1x256x16xi32, #tpu.memory_space<vmem>>, vector<1x256x1xi32>
    %swap3A_99 = vector.shape_cast %swap3A_98 : vector<1x256x1xi32> to vector<256xi32>
    %swap3A_100 = vector.shape_cast %add3A_94 : vector<256xi32> to vector<1x256x1xi32>
    tpu.vector_store %arg4[%swap3A_95, %swap3A_96, %swap3A_97], %swap3A_100 {strides = array<i32>} : memref<1x256x16xi32, #tpu.memory_space<vmem>>, vector<1x256x1xi32>,
    %broadcast_in_dim3A_101 = vector.shape_cast %reduce_min3A_92 : vector<256xi32> to vector<256x1xi32>
    %eq3A_102 = vector.broadcast %broadcast_in_dim3A_101 : vector<256x1xi32> to vector<256x4096xi32>
    %eq3A_103 = arith.cmpi eq, %iota3A, %eq3A_102 : vector<256x4096xi32>
    %jit3A_104 = arith.constant 3.000000e+38 : f32
    %broadcast_in_dim3A_105 = vector.broadcast %jit3A_104 : f32 to vector<256x4096xf32>
    %select_n3A_106 = arith.select %eq3A_103, %broadcast_in_dim3A_105, %get3A_82 : vector<256x4096xi1>, vector<256x4096xf32>
    %swap3A_107 = arith.constant 0 : index
    %swap3A_108 = arith.constant 0 : index
    %swap3A_109 = vector.load %arg5[%swap3A_107, %swap3A_108] : memref<256x4096xf32, #tpu.memory_space<vmem>>, vector<256x4096xf32>
    tpu.vector_store %arg5[%swap3A_107, %swap3A_108], %select_n3A_106 {strides = array<i32>} : memref<256x4096xf32, #tpu.memory_space<vmem>>, vector<256x4096xf32>,
    %get3A_110 = arith.constant 0 : index
    %get3A_111 = arith.constant 0 : index
    %get3A_112 = vector.load %arg5[%get3A_110, %get3A_111] : memref<256x4096xf32, #tpu.memory_space<vmem>>, vector<256x4096xf32>
    %reduce_min3A_113 = arith.constant dense<0x7F800000> : vector<256xf32>
    %reduce_min3A_114 = vector.multi_reduction <minimumf>, %get3A_112, %reduce_min3A_113 [1] : vector<256x4096xf32> to vector<256xf32>
    %broadcast_in_dim3A_115 = vector.shape_cast %reduce_min3A_114 : vector<256xf32> to vector<256x1xf32>
    %eq3A_116 = vector.broadcast %broadcast_in_dim3A_115 : vector<256x1xf32> to vector<256x4096xf32>
    %eq3A_117 = arith.cmpf oeq, %get3A_112, %eq3A_116 : vector<256x4096xf32>
    %jit3A_118 = arith.constant 4096 : i32
    %broadcast_in_dim3A_119 = vector.broadcast %jit3A_118 : i32 to vector<256x4096xi32>
    %select_n3A_120 = arith.select %eq3A_117, %iota3A, %broadcast_in_dim3A_119 : vector<256x4096xi1>, vector<256x4096xi32>
    %reduce_min3A_121 = arith.constant dense<2147483647> : vector<256xi32>
    %reduce_min3A_122 = vector.multi_reduction <minsi>, %select_n3A_120, %reduce_min3A_121 [1] : vector<256x4096xi32> to vector<256xi32>
    %add3A_123 = vector.broadcast %mul3A_23 : i32 to vector<256xi32>
    %add3A_124 = arith.addi %reduce_min3A_122, %add3A_123 : vector<256xi32>
    %swap3A_125 = arith.constant 0 : index
    %swap3A_126 = arith.constant 0 : index
    %swap3A_127 = arith.constant 3 : index
    %swap3A_128 = vector.load %arg4[%swap3A_125, %swap3A_126, %swap3A_127] : memref<1x256x16xi32, #tpu.memory_space<vmem>>, vector<1x256x1xi32>
    %swap3A_129 = vector.shape_cast %swap3A_128 : vector<1x256x1xi32> to vector<256xi32>
    %swap3A_130 = vector.shape_cast %add3A_124 : vector<256xi32> to vector<1x256x1xi32>
    tpu.vector_store %arg4[%swap3A_125, %swap3A_126, %swap3A_127], %swap3A_130 {strides = array<i32>} : memref<1x256x16xi32, #tpu.memory_space<vmem>>, vector<1x256x1xi32>,
    %broadcast_in_dim3A_131 = vector.shape_cast %reduce_min3A_122 : vector<256xi32> to vector<256x1xi32>
    %eq3A_132 = vector.broadcast %broadcast_in_dim3A_131 : vector<256x1xi32> to vector<256x4096xi32>
    %eq3A_133 = arith.cmpi eq, %iota3A, %eq3A_132 : vector<256x4096xi32>
    %jit3A_134 = arith.constant 3.000000e+38 : f32
    %broadcast_in_dim3A_135 = vector.broadcast %jit3A_134 : f32 to vector<256x4096xf32>
    %select_n3A_136 = arith.select %eq3A_133, %broadcast_in_dim3A_135, %get3A_112 : vector<256x4096xi1>, vector<256x4096xf32>
    %swap3A_137 = arith.constant 0 : index
    %swap3A_138 = arith.constant 0 : index
    %swap3A_139 = vector.load %arg5[%swap3A_137, %swap3A_138] : memref<256x4096xf32, #tpu.memory_space<vmem>>, vector<256x4096xf32>
    tpu.vector_store %arg5[%swap3A_137, %swap3A_138], %select_n3A_136 {strides = array<i32>} : memref<256x4096xf32, #tpu.memory_space<vmem>>, vector<256x4096xf32>,
    %get3A_140 = arith.constant 0 : index
    %get3A_141 = arith.constant 0 : index
    %get3A_142 = vector.load %arg5[%get3A_140, %get3A_141] : memref<256x4096xf32, #tpu.memory_space<vmem>>, vector<256x4096xf32>
    %reduce_min3A_143 = arith.constant dense<0x7F800000> : vector<256xf32>
    %reduce_min3A_144 = vector.multi_reduction <minimumf>, %get3A_142, %reduce_min3A_143 [1] : vector<256x4096xf32> to vector<256xf32>
    %broadcast_in_dim3A_145 = vector.shape_cast %reduce_min3A_144 : vector<256xf32> to vector<256x1xf32>
    %eq3A_146 = vector.broadcast %broadcast_in_dim3A_145 : vector<256x1xf32> to vector<256x4096xf32>
    %eq3A_147 = arith.cmpf oeq, %get3A_142, %eq3A_146 : vector<256x4096xf32>
    %jit3A_148 = arith.constant 4096 : i32
    %broadcast_in_dim3A_149 = vector.broadcast %jit3A_148 : i32 to vector<256x4096xi32>
    %select_n3A_150 = arith.select %eq3A_147, %iota3A, %broadcast_in_dim3A_149 : vector<256x4096xi1>, vector<256x4096xi32>
    %reduce_min3A_151 = arith.constant dense<2147483647> : vector<256xi32>
    %reduce_min3A_152 = vector.multi_reduction <minsi>, %select_n3A_150, %reduce_min3A_151 [1] : vector<256x4096xi32> to vector<256xi32>
    %add3A_153 = vector.broadcast %mul3A_23 : i32 to vector<256xi32>
    %add3A_154 = arith.addi %reduce_min3A_152, %add3A_153 : vector<256xi32>
    %swap3A_155 = arith.constant 0 : index
    %swap3A_156 = arith.constant 0 : index
    %swap3A_157 = arith.constant 4 : index
    %swap3A_158 = vector.load %arg4[%swap3A_155, %swap3A_156, %swap3A_157] : memref<1x256x16xi32, #tpu.memory_space<vmem>>, vector<1x256x1xi32>
    %swap3A_159 = vector.shape_cast %swap3A_158 : vector<1x256x1xi32> to vector<256xi32>
    %swap3A_160 = vector.shape_cast %add3A_154 : vector<256xi32> to vector<1x256x1xi32>
    tpu.vector_store %arg4[%swap3A_155, %swap3A_156, %swap3A_157], %swap3A_160 {strides = array<i32>} : memref<1x256x16xi32, #tpu.memory_space<vmem>>, vector<1x256x1xi32>,
    %broadcast_in_dim3A_161 = vector.shape_cast %reduce_min3A_152 : vector<256xi32> to vector<256x1xi32>
    %eq3A_162 = vector.broadcast %broadcast_in_dim3A_161 : vector<256x1xi32> to vector<256x4096xi32>
    %eq3A_163 = arith.cmpi eq, %iota3A, %eq3A_162 : vector<256x4096xi32>
    %jit3A_164 = arith.constant 3.000000e+38 : f32
    %broadcast_in_dim3A_165 = vector.broadcast %jit3A_164 : f32 to vector<256x4096xf32>
    %select_n3A_166 = arith.select %eq3A_163, %broadcast_in_dim3A_165, %get3A_142 : vector<256x4096xi1>, vector<256x4096xf32>
    %swap3A_167 = arith.constant 0 : index
    %swap3A_168 = arith.constant 0 : index
    %swap3A_169 = vector.load %arg5[%swap3A_167, %swap3A_168] : memref<256x4096xf32, #tpu.memory_space<vmem>>, vector<256x4096xf32>
    tpu.vector_store %arg5[%swap3A_167, %swap3A_168], %select_n3A_166 {strides = array<i32>} : memref<256x4096xf32, #tpu.memory_space<vmem>>, vector<256x4096xf32>,
    %get3A_170 = arith.constant 0 : index
    %get3A_171 = arith.constant 0 : index
    %get3A_172 = vector.load %arg5[%get3A_170, %get3A_171] : memref<256x4096xf32, #tpu.memory_space<vmem>>, vector<256x4096xf32>
    %reduce_min3A_173 = arith.constant dense<0x7F800000> : vector<256xf32>
    %reduce_min3A_174 = vector.multi_reduction <minimumf>, %get3A_172, %reduce_min3A_173 [1] : vector<256x4096xf32> to vector<256xf32>
    %broadcast_in_dim3A_175 = vector.shape_cast %reduce_min3A_174 : vector<256xf32> to vector<256x1xf32>
    %eq3A_176 = vector.broadcast %broadcast_in_dim3A_175 : vector<256x1xf32> to vector<256x4096xf32>
    %eq3A_177 = arith.cmpf oeq, %get3A_172, %eq3A_176 : vector<256x4096xf32>
    %jit3A_178 = arith.constant 4096 : i32
    %broadcast_in_dim3A_179 = vector.broadcast %jit3A_178 : i32 to vector<256x4096xi32>
    %select_n3A_180 = arith.select %eq3A_177, %iota3A, %broadcast_in_dim3A_179 : vector<256x4096xi1>, vector<256x4096xi32>
    %reduce_min3A_181 = arith.constant dense<2147483647> : vector<256xi32>
    %reduce_min3A_182 = vector.multi_reduction <minsi>, %select_n3A_180, %reduce_min3A_181 [1] : vector<256x4096xi32> to vector<256xi32>
    %add3A_183 = vector.broadcast %mul3A_23 : i32 to vector<256xi32>
    %add3A_184 = arith.addi %reduce_min3A_182, %add3A_183 : vector<256xi32>
    %swap3A_185 = arith.constant 0 : index
    %swap3A_186 = arith.constant 0 : index
    %swap3A_187 = arith.constant 5 : index
    %swap3A_188 = vector.load %arg4[%swap3A_185, %swap3A_186, %swap3A_187] : memref<1x256x16xi32, #tpu.memory_space<vmem>>, vector<1x256x1xi32>
    %swap3A_189 = vector.shape_cast %swap3A_188 : vector<1x256x1xi32> to vector<256xi32>
    %swap3A_190 = vector.shape_cast %add3A_184 : vector<256xi32> to vector<1x256x1xi32>
    tpu.vector_store %arg4[%swap3A_185, %swap3A_186, %swap3A_187], %swap3A_190 {strides = array<i32>} : memref<1x256x16xi32, #tpu.memory_space<vmem>>, vector<1x256x1xi32>,
    %broadcast_in_dim3A_191 = vector.shape_cast %reduce_min3A_182 : vector<256xi32> to vector<256x1xi32>
    %eq3A_192 = vector.broadcast %broadcast_in_dim3A_191 : vector<256x1xi32> to vector<256x4096xi32>
    %eq3A_193 = arith.cmpi eq, %iota3A, %eq3A_192 : vector<256x4096xi32>
    %jit3A_194 = arith.constant 3.000000e+38 : f32
    %broadcast_in_dim3A_195 = vector.broadcast %jit3A_194 : f32 to vector<256x4096xf32>
    %select_n3A_196 = arith.select %eq3A_193, %broadcast_in_dim3A_195, %get3A_172 : vector<256x4096xi1>, vector<256x4096xf32>
    %swap3A_197 = arith.constant 0 : index
    %swap3A_198 = arith.constant 0 : index
    %swap3A_199 = vector.load %arg5[%swap3A_197, %swap3A_198] : memref<256x4096xf32, #tpu.memory_space<vmem>>, vector<256x4096xf32>
    tpu.vector_store %arg5[%swap3A_197, %swap3A_198], %select_n3A_196 {strides = array<i32>} : memref<256x4096xf32, #tpu.memory_space<vmem>>, vector<256x4096xf32>,
    %get3A_200 = arith.constant 0 : index
    %get3A_201 = arith.constant 0 : index
    %get3A_202 = vector.load %arg5[%get3A_200, %get3A_201] : memref<256x4096xf32, #tpu.memory_space<vmem>>, vector<256x4096xf32>
    %reduce_min3A_203 = arith.constant dense<0x7F800000> : vector<256xf32>
    %reduce_min3A_204 = vector.multi_reduction <minimumf>, %get3A_202, %reduce_min3A_203 [1] : vector<256x4096xf32> to vector<256xf32>
    %broadcast_in_dim3A_205 = vector.shape_cast %reduce_min3A_204 : vector<256xf32> to vector<256x1xf32>
    %eq3A_206 = vector.broadcast %broadcast_in_dim3A_205 : vector<256x1xf32> to vector<256x4096xf32>
    %eq3A_207 = arith.cmpf oeq, %get3A_202, %eq3A_206 : vector<256x4096xf32>
    %jit3A_208 = arith.constant 4096 : i32
    %broadcast_in_dim3A_209 = vector.broadcast %jit3A_208 : i32 to vector<256x4096xi32>
    %select_n3A_210 = arith.select %eq3A_207, %iota3A, %broadcast_in_dim3A_209 : vector<256x4096xi1>, vector<256x4096xi32>
    %reduce_min3A_211 = arith.constant dense<2147483647> : vector<256xi32>
    %reduce_min3A_212 = vector.multi_reduction <minsi>, %select_n3A_210, %reduce_min3A_211 [1] : vector<256x4096xi32> to vector<256xi32>
    %add3A_213 = vector.broadcast %mul3A_23 : i32 to vector<256xi32>
    %add3A_214 = arith.addi %reduce_min3A_212, %add3A_213 : vector<256xi32>
    %swap3A_215 = arith.constant 0 : index
    %swap3A_216 = arith.constant 0 : index
    %swap3A_217 = arith.constant 6 : index
    %swap3A_218 = vector.load %arg4[%swap3A_215, %swap3A_216, %swap3A_217] : memref<1x256x16xi32, #tpu.memory_space<vmem>>, vector<1x256x1xi32>
    %swap3A_219 = vector.shape_cast %swap3A_218 : vector<1x256x1xi32> to vector<256xi32>
    %swap3A_220 = vector.shape_cast %add3A_214 : vector<256xi32> to vector<1x256x1xi32>
    tpu.vector_store %arg4[%swap3A_215, %swap3A_216, %swap3A_217], %swap3A_220 {strides = array<i32>} : memref<1x256x16xi32, #tpu.memory_space<vmem>>, vector<1x256x1xi32>,
    %broadcast_in_dim3A_221 = vector.shape_cast %reduce_min3A_212 : vector<256xi32> to vector<256x1xi32>
    %eq3A_222 = vector.broadcast %broadcast_in_dim3A_221 : vector<256x1xi32> to vector<256x4096xi32>
    %eq3A_223 = arith.cmpi eq, %iota3A, %eq3A_222 : vector<256x4096xi32>
    %jit3A_224 = arith.constant 3.000000e+38 : f32
    %broadcast_in_dim3A_225 = vector.broadcast %jit3A_224 : f32 to vector<256x4096xf32>
    %select_n3A_226 = arith.select %eq3A_223, %broadcast_in_dim3A_225, %get3A_202 : vector<256x4096xi1>, vector<256x4096xf32>
    %swap3A_227 = arith.constant 0 : index
    %swap3A_228 = arith.constant 0 : index
    %swap3A_229 = vector.load %arg5[%swap3A_227, %swap3A_228] : memref<256x4096xf32, #tpu.memory_space<vmem>>, vector<256x4096xf32>
    tpu.vector_store %arg5[%swap3A_227, %swap3A_228], %select_n3A_226 {strides = array<i32>} : memref<256x4096xf32, #tpu.memory_space<vmem>>, vector<256x4096xf32>,
    %get3A_230 = arith.constant 0 : index
    %get3A_231 = arith.constant 0 : index
    %get3A_232 = vector.load %arg5[%get3A_230, %get3A_231] : memref<256x4096xf32, #tpu.memory_space<vmem>>, vector<256x4096xf32>
    %reduce_min3A_233 = arith.constant dense<0x7F800000> : vector<256xf32>
    %reduce_min3A_234 = vector.multi_reduction <minimumf>, %get3A_232, %reduce_min3A_233 [1] : vector<256x4096xf32> to vector<256xf32>
    %broadcast_in_dim3A_235 = vector.shape_cast %reduce_min3A_234 : vector<256xf32> to vector<256x1xf32>
    %eq3A_236 = vector.broadcast %broadcast_in_dim3A_235 : vector<256x1xf32> to vector<256x4096xf32>
    %eq3A_237 = arith.cmpf oeq, %get3A_232, %eq3A_236 : vector<256x4096xf32>
    %jit3A_238 = arith.constant 4096 : i32
    %broadcast_in_dim3A_239 = vector.broadcast %jit3A_238 : i32 to vector<256x4096xi32>
    %select_n3A_240 = arith.select %eq3A_237, %iota3A, %broadcast_in_dim3A_239 : vector<256x4096xi1>, vector<256x4096xi32>
    %reduce_min3A_241 = arith.constant dense<2147483647> : vector<256xi32>
    %reduce_min3A_242 = vector.multi_reduction <minsi>, %select_n3A_240, %reduce_min3A_241 [1] : vector<256x4096xi32> to vector<256xi32>
    %add3A_243 = vector.broadcast %mul3A_23 : i32 to vector<256xi32>
    %add3A_244 = arith.addi %reduce_min3A_242, %add3A_243 : vector<256xi32>
    %swap3A_245 = arith.constant 0 : index
    %swap3A_246 = arith.constant 0 : index
    %swap3A_247 = arith.constant 7 : index
    %swap3A_248 = vector.load %arg4[%swap3A_245, %swap3A_246, %swap3A_247] : memref<1x256x16xi32, #tpu.memory_space<vmem>>, vector<1x256x1xi32>
    %swap3A_249 = vector.shape_cast %swap3A_248 : vector<1x256x1xi32> to vector<256xi32>
    %swap3A_250 = vector.shape_cast %add3A_244 : vector<256xi32> to vector<1x256x1xi32>
    tpu.vector_store %arg4[%swap3A_245, %swap3A_246, %swap3A_247], %swap3A_250 {strides = array<i32>} : memref<1x256x16xi32, #tpu.memory_space<vmem>>, vector<1x256x1xi32>,
    %broadcast_in_dim3A_251 = vector.shape_cast %reduce_min3A_242 : vector<256xi32> to vector<256x1xi32>
    %eq3A_252 = vector.broadcast %broadcast_in_dim3A_251 : vector<256x1xi32> to vector<256x4096xi32>
    %eq3A_253 = arith.cmpi eq, %iota3A, %eq3A_252 : vector<256x4096xi32>
    %jit3A_254 = arith.constant 3.000000e+38 : f32
    %broadcast_in_dim3A_255 = vector.broadcast %jit3A_254 : f32 to vector<256x4096xf32>
    %select_n3A_256 = arith.select %eq3A_253, %broadcast_in_dim3A_255, %get3A_232 : vector<256x4096xi1>, vector<256x4096xf32>
    %swap3A_257 = arith.constant 0 : index
    %swap3A_258 = arith.constant 0 : index
    %swap3A_259 = vector.load %arg5[%swap3A_257, %swap3A_258] : memref<256x4096xf32, #tpu.memory_space<vmem>>, vector<256x4096xf32>
    tpu.vector_store %arg5[%swap3A_257, %swap3A_258], %select_n3A_256 {strides = array<i32>} : memref<256x4096xf32, #tpu.memory_space<vmem>>, vector<256x4096xf32>,
    %get3A_260 = arith.constant 0 : index
    %get3A_261 = arith.constant 0 : index
    %get3A_262 = vector.load %arg5[%get3A_260, %get3A_261] : memref<256x4096xf32, #tpu.memory_space<vmem>>, vector<256x4096xf32>
    %reduce_min3A_263 = arith.constant dense<0x7F800000> : vector<256xf32>
    %reduce_min3A_264 = vector.multi_reduction <minimumf>, %get3A_262, %reduce_min3A_263 [1] : vector<256x4096xf32> to vector<256xf32>
    %broadcast_in_dim3A_265 = vector.shape_cast %reduce_min3A_264 : vector<256xf32> to vector<256x1xf32>
    %eq3A_266 = vector.broadcast %broadcast_in_dim3A_265 : vector<256x1xf32> to vector<256x4096xf32>
    %eq3A_267 = arith.cmpf oeq, %get3A_262, %eq3A_266 : vector<256x4096xf32>
    %jit3A_268 = arith.constant 4096 : i32
    %broadcast_in_dim3A_269 = vector.broadcast %jit3A_268 : i32 to vector<256x4096xi32>
    %select_n3A_270 = arith.select %eq3A_267, %iota3A, %broadcast_in_dim3A_269 : vector<256x4096xi1>, vector<256x4096xi32>
    %reduce_min3A_271 = arith.constant dense<2147483647> : vector<256xi32>
    %reduce_min3A_272 = vector.multi_reduction <minsi>, %select_n3A_270, %reduce_min3A_271 [1] : vector<256x4096xi32> to vector<256xi32>
    %add3A_273 = vector.broadcast %mul3A_23 : i32 to vector<256xi32>
    %add3A_274 = arith.addi %reduce_min3A_272, %add3A_273 : vector<256xi32>
    %swap3A_275 = arith.constant 0 : index
    %swap3A_276 = arith.constant 0 : index
    %swap3A_277 = arith.constant 8 : index
    %swap3A_278 = vector.load %arg4[%swap3A_275, %swap3A_276, %swap3A_277] : memref<1x256x16xi32, #tpu.memory_space<vmem>>, vector<1x256x1xi32>
    %swap3A_279 = vector.shape_cast %swap3A_278 : vector<1x256x1xi32> to vector<256xi32>
    %swap3A_280 = vector.shape_cast %add3A_274 : vector<256xi32> to vector<1x256x1xi32>
    tpu.vector_store %arg4[%swap3A_275, %swap3A_276, %swap3A_277], %swap3A_280 {strides = array<i32>} : memref<1x256x16xi32, #tpu.memory_space<vmem>>, vector<1x256x1xi32>,
    %broadcast_in_dim3A_281 = vector.shape_cast %reduce_min3A_272 : vector<256xi32> to vector<256x1xi32>
    %eq3A_282 = vector.broadcast %broadcast_in_dim3A_281 : vector<256x1xi32> to vector<256x4096xi32>
    %eq3A_283 = arith.cmpi eq, %iota3A, %eq3A_282 : vector<256x4096xi32>
    %jit3A_284 = arith.constant 3.000000e+38 : f32
    %broadcast_in_dim3A_285 = vector.broadcast %jit3A_284 : f32 to vector<256x4096xf32>
    %select_n3A_286 = arith.select %eq3A_283, %broadcast_in_dim3A_285, %get3A_262 : vector<256x4096xi1>, vector<256x4096xf32>
    %swap3A_287 = arith.constant 0 : index
    %swap3A_288 = arith.constant 0 : index
    %swap3A_289 = vector.load %arg5[%swap3A_287, %swap3A_288] : memref<256x4096xf32, #tpu.memory_space<vmem>>, vector<256x4096xf32>
    tpu.vector_store %arg5[%swap3A_287, %swap3A_288], %select_n3A_286 {strides = array<i32>} : memref<256x4096xf32, #tpu.memory_space<vmem>>, vector<256x4096xf32>,
    %get3A_290 = arith.constant 0 : index
    %get3A_291 = arith.constant 0 : index
    %get3A_292 = vector.load %arg5[%get3A_290, %get3A_291] : memref<256x4096xf32, #tpu.memory_space<vmem>>, vector<256x4096xf32>
    %reduce_min3A_293 = arith.constant dense<0x7F800000> : vector<256xf32>
    %reduce_min3A_294 = vector.multi_reduction <minimumf>, %get3A_292, %reduce_min3A_293 [1] : vector<256x4096xf32> to vector<256xf32>
    %broadcast_in_dim3A_295 = vector.shape_cast %reduce_min3A_294 : vector<256xf32> to vector<256x1xf32>
    %eq3A_296 = vector.broadcast %broadcast_in_dim3A_295 : vector<256x1xf32> to vector<256x4096xf32>
    %eq3A_297 = arith.cmpf oeq, %get3A_292, %eq3A_296 : vector<256x4096xf32>
    %jit3A_298 = arith.constant 4096 : i32
    %broadcast_in_dim3A_299 = vector.broadcast %jit3A_298 : i32 to vector<256x4096xi32>
    %select_n3A_300 = arith.select %eq3A_297, %iota3A, %broadcast_in_dim3A_299 : vector<256x4096xi1>, vector<256x4096xi32>
    %reduce_min3A_301 = arith.constant dense<2147483647> : vector<256xi32>
    %reduce_min3A_302 = vector.multi_reduction <minsi>, %select_n3A_300, %reduce_min3A_301 [1] : vector<256x4096xi32> to vector<256xi32>
    %add3A_303 = vector.broadcast %mul3A_23 : i32 to vector<256xi32>
    %add3A_304 = arith.addi %reduce_min3A_302, %add3A_303 : vector<256xi32>
    %swap3A_305 = arith.constant 0 : index
    %swap3A_306 = arith.constant 0 : index
    %swap3A_307 = arith.constant 9 : index
    %swap3A_308 = vector.load %arg4[%swap3A_305, %swap3A_306, %swap3A_307] : memref<1x256x16xi32, #tpu.memory_space<vmem>>, vector<1x256x1xi32>
    %swap3A_309 = vector.shape_cast %swap3A_308 : vector<1x256x1xi32> to vector<256xi32>
    %swap3A_310 = vector.shape_cast %add3A_304 : vector<256xi32> to vector<1x256x1xi32>
    tpu.vector_store %arg4[%swap3A_305, %swap3A_306, %swap3A_307], %swap3A_310 {strides = array<i32>} : memref<1x256x16xi32, #tpu.memory_space<vmem>>, vector<1x256x1xi32>,
    %broadcast_in_dim3A_311 = vector.shape_cast %reduce_min3A_302 : vector<256xi32> to vector<256x1xi32>
    %eq3A_312 = vector.broadcast %broadcast_in_dim3A_311 : vector<256x1xi32> to vector<256x4096xi32>
    %eq3A_313 = arith.cmpi eq, %iota3A, %eq3A_312 : vector<256x4096xi32>
    %jit3A_314 = arith.constant 3.000000e+38 : f32
    %broadcast_in_dim3A_315 = vector.broadcast %jit3A_314 : f32 to vector<256x4096xf32>
    %select_n3A_316 = arith.select %eq3A_313, %broadcast_in_dim3A_315, %get3A_292 : vector<256x4096xi1>, vector<256x4096xf32>
    %swap3A_317 = arith.constant 0 : index
    %swap3A_318 = arith.constant 0 : index
    %swap3A_319 = vector.load %arg5[%swap3A_317, %swap3A_318] : memref<256x4096xf32, #tpu.memory_space<vmem>>, vector<256x4096xf32>
    tpu.vector_store %arg5[%swap3A_317, %swap3A_318], %select_n3A_316 {strides = array<i32>} : memref<256x4096xf32, #tpu.memory_space<vmem>>, vector<256x4096xf32>,
    %get3A_320 = arith.constant 0 : index
    %get3A_321 = arith.constant 0 : index
    %get3A_322 = vector.load %arg5[%get3A_320, %get3A_321] : memref<256x4096xf32, #tpu.memory_space<vmem>>, vector<256x4096xf32>
    %reduce_min3A_323 = arith.constant dense<0x7F800000> : vector<256xf32>
    %reduce_min3A_324 = vector.multi_reduction <minimumf>, %get3A_322, %reduce_min3A_323 [1] : vector<256x4096xf32> to vector<256xf32>
    %broadcast_in_dim3A_325 = vector.shape_cast %reduce_min3A_324 : vector<256xf32> to vector<256x1xf32>
    %eq3A_326 = vector.broadcast %broadcast_in_dim3A_325 : vector<256x1xf32> to vector<256x4096xf32>
    %eq3A_327 = arith.cmpf oeq, %get3A_322, %eq3A_326 : vector<256x4096xf32>
    %jit3A_328 = arith.constant 4096 : i32
    %broadcast_in_dim3A_329 = vector.broadcast %jit3A_328 : i32 to vector<256x4096xi32>
    %select_n3A_330 = arith.select %eq3A_327, %iota3A, %broadcast_in_dim3A_329 : vector<256x4096xi1>, vector<256x4096xi32>
    %reduce_min3A_331 = arith.constant dense<2147483647> : vector<256xi32>
    %reduce_min3A_332 = vector.multi_reduction <minsi>, %select_n3A_330, %reduce_min3A_331 [1] : vector<256x4096xi32> to vector<256xi32>
    %add3A_333 = vector.broadcast %mul3A_23 : i32 to vector<256xi32>
    %add3A_334 = arith.addi %reduce_min3A_332, %add3A_333 : vector<256xi32>
    %swap3A_335 = arith.constant 0 : index
    %swap3A_336 = arith.constant 0 : index
    %swap3A_337 = arith.constant 10 : index
    %swap3A_338 = vector.load %arg4[%swap3A_335, %swap3A_336, %swap3A_337] : memref<1x256x16xi32, #tpu.memory_space<vmem>>, vector<1x256x1xi32>
    %swap3A_339 = vector.shape_cast %swap3A_338 : vector<1x256x1xi32> to vector<256xi32>
    %swap3A_340 = vector.shape_cast %add3A_334 : vector<256xi32> to vector<1x256x1xi32>
    tpu.vector_store %arg4[%swap3A_335, %swap3A_336, %swap3A_337], %swap3A_340 {strides = array<i32>} : memref<1x256x16xi32, #tpu.memory_space<vmem>>, vector<1x256x1xi32>,
    %broadcast_in_dim3A_341 = vector.shape_cast %reduce_min3A_332 : vector<256xi32> to vector<256x1xi32>
    %eq3A_342 = vector.broadcast %broadcast_in_dim3A_341 : vector<256x1xi32> to vector<256x4096xi32>
    %eq3A_343 = arith.cmpi eq, %iota3A, %eq3A_342 : vector<256x4096xi32>
    %jit3A_344 = arith.constant 3.000000e+38 : f32
    %broadcast_in_dim3A_345 = vector.broadcast %jit3A_344 : f32 to vector<256x4096xf32>
    %select_n3A_346 = arith.select %eq3A_343, %broadcast_in_dim3A_345, %get3A_322 : vector<256x4096xi1>, vector<256x4096xf32>
    %swap3A_347 = arith.constant 0 : index
    %swap3A_348 = arith.constant 0 : index
    %swap3A_349 = vector.load %arg5[%swap3A_347, %swap3A_348] : memref<256x4096xf32, #tpu.memory_space<vmem>>, vector<256x4096xf32>
    tpu.vector_store %arg5[%swap3A_347, %swap3A_348], %select_n3A_346 {strides = array<i32>} : memref<256x4096xf32, #tpu.memory_space<vmem>>, vector<256x4096xf32>,
    %get3A_350 = arith.constant 0 : index
    %get3A_351 = arith.constant 0 : index
    %get3A_352 = vector.load %arg5[%get3A_350, %get3A_351] : memref<256x4096xf32, #tpu.memory_space<vmem>>, vector<256x4096xf32>
    %reduce_min3A_353 = arith.constant dense<0x7F800000> : vector<256xf32>
    %reduce_min3A_354 = vector.multi_reduction <minimumf>, %get3A_352, %reduce_min3A_353 [1] : vector<256x4096xf32> to vector<256xf32>
    %broadcast_in_dim3A_355 = vector.shape_cast %reduce_min3A_354 : vector<256xf32> to vector<256x1xf32>
    %eq3A_356 = vector.broadcast %broadcast_in_dim3A_355 : vector<256x1xf32> to vector<256x4096xf32>
    %eq3A_357 = arith.cmpf oeq, %get3A_352, %eq3A_356 : vector<256x4096xf32>
    %jit3A_358 = arith.constant 4096 : i32
    %broadcast_in_dim3A_359 = vector.broadcast %jit3A_358 : i32 to vector<256x4096xi32>
    %select_n3A_360 = arith.select %eq3A_357, %iota3A, %broadcast_in_dim3A_359 : vector<256x4096xi1>, vector<256x4096xi32>
    %reduce_min3A_361 = arith.constant dense<2147483647> : vector<256xi32>
    %reduce_min3A_362 = vector.multi_reduction <minsi>, %select_n3A_360, %reduce_min3A_361 [1] : vector<256x4096xi32> to vector<256xi32>
    %add3A_363 = vector.broadcast %mul3A_23 : i32 to vector<256xi32>
    %add3A_364 = arith.addi %reduce_min3A_362, %add3A_363 : vector<256xi32>
    %swap3A_365 = arith.constant 0 : index
    %swap3A_366 = arith.constant 0 : index
    %swap3A_367 = arith.constant 11 : index
    %swap3A_368 = vector.load %arg4[%swap3A_365, %swap3A_366, %swap3A_367] : memref<1x256x16xi32, #tpu.memory_space<vmem>>, vector<1x256x1xi32>
    %swap3A_369 = vector.shape_cast %swap3A_368 : vector<1x256x1xi32> to vector<256xi32>
    %swap3A_370 = vector.shape_cast %add3A_364 : vector<256xi32> to vector<1x256x1xi32>
    tpu.vector_store %arg4[%swap3A_365, %swap3A_366, %swap3A_367], %swap3A_370 {strides = array<i32>} : memref<1x256x16xi32, #tpu.memory_space<vmem>>, vector<1x256x1xi32>,
    %broadcast_in_dim3A_371 = vector.shape_cast %reduce_min3A_362 : vector<256xi32> to vector<256x1xi32>
    %eq3A_372 = vector.broadcast %broadcast_in_dim3A_371 : vector<256x1xi32> to vector<256x4096xi32>
    %eq3A_373 = arith.cmpi eq, %iota3A, %eq3A_372 : vector<256x4096xi32>
    %jit3A_374 = arith.constant 3.000000e+38 : f32
    %broadcast_in_dim3A_375 = vector.broadcast %jit3A_374 : f32 to vector<256x4096xf32>
    %select_n3A_376 = arith.select %eq3A_373, %broadcast_in_dim3A_375, %get3A_352 : vector<256x4096xi1>, vector<256x4096xf32>
    %swap3A_377 = arith.constant 0 : index
    %swap3A_378 = arith.constant 0 : index
    %swap3A_379 = vector.load %arg5[%swap3A_377, %swap3A_378] : memref<256x4096xf32, #tpu.memory_space<vmem>>, vector<256x4096xf32>
    tpu.vector_store %arg5[%swap3A_377, %swap3A_378], %select_n3A_376 {strides = array<i32>} : memref<256x4096xf32, #tpu.memory_space<vmem>>, vector<256x4096xf32>,
    %get3A_380 = arith.constant 0 : index
    %get3A_381 = arith.constant 0 : index
    %get3A_382 = vector.load %arg5[%get3A_380, %get3A_381] : memref<256x4096xf32, #tpu.memory_space<vmem>>, vector<256x4096xf32>
    %reduce_min3A_383 = arith.constant dense<0x7F800000> : vector<256xf32>
    %reduce_min3A_384 = vector.multi_reduction <minimumf>, %get3A_382, %reduce_min3A_383 [1] : vector<256x4096xf32> to vector<256xf32>
    %broadcast_in_dim3A_385 = vector.shape_cast %reduce_min3A_384 : vector<256xf32> to vector<256x1xf32>
    %eq3A_386 = vector.broadcast %broadcast_in_dim3A_385 : vector<256x1xf32> to vector<256x4096xf32>
    %eq3A_387 = arith.cmpf oeq, %get3A_382, %eq3A_386 : vector<256x4096xf32>
    %jit3A_388 = arith.constant 4096 : i32
    %broadcast_in_dim3A_389 = vector.broadcast %jit3A_388 : i32 to vector<256x4096xi32>
    %select_n3A_390 = arith.select %eq3A_387, %iota3A, %broadcast_in_dim3A_389 : vector<256x4096xi1>, vector<256x4096xi32>
    %reduce_min3A_391 = arith.constant dense<2147483647> : vector<256xi32>
    %reduce_min3A_392 = vector.multi_reduction <minsi>, %select_n3A_390, %reduce_min3A_391 [1] : vector<256x4096xi32> to vector<256xi32>
    %add3A_393 = vector.broadcast %mul3A_23 : i32 to vector<256xi32>
    %add3A_394 = arith.addi %reduce_min3A_392, %add3A_393 : vector<256xi32>
    %swap3A_395 = arith.constant 0 : index
    %swap3A_396 = arith.constant 0 : index
    %swap3A_397 = arith.constant 12 : index
    %swap3A_398 = vector.load %arg4[%swap3A_395, %swap3A_396, %swap3A_397] : memref<1x256x16xi32, #tpu.memory_space<vmem>>, vector<1x256x1xi32>
    %swap3A_399 = vector.shape_cast %swap3A_398 : vector<1x256x1xi32> to vector<256xi32>
    %swap3A_400 = vector.shape_cast %add3A_394 : vector<256xi32> to vector<1x256x1xi32>
    tpu.vector_store %arg4[%swap3A_395, %swap3A_396, %swap3A_397], %swap3A_400 {strides = array<i32>} : memref<1x256x16xi32, #tpu.memory_space<vmem>>, vector<1x256x1xi32>,
    %broadcast_in_dim3A_401 = vector.shape_cast %reduce_min3A_392 : vector<256xi32> to vector<256x1xi32>
    %eq3A_402 = vector.broadcast %broadcast_in_dim3A_401 : vector<256x1xi32> to vector<256x4096xi32>
    %eq3A_403 = arith.cmpi eq, %iota3A, %eq3A_402 : vector<256x4096xi32>
    %jit3A_404 = arith.constant 3.000000e+38 : f32
    %broadcast_in_dim3A_405 = vector.broadcast %jit3A_404 : f32 to vector<256x4096xf32>
    %select_n3A_406 = arith.select %eq3A_403, %broadcast_in_dim3A_405, %get3A_382 : vector<256x4096xi1>, vector<256x4096xf32>
    %swap3A_407 = arith.constant 0 : index
    %swap3A_408 = arith.constant 0 : index
    %swap3A_409 = vector.load %arg5[%swap3A_407, %swap3A_408] : memref<256x4096xf32, #tpu.memory_space<vmem>>, vector<256x4096xf32>
    tpu.vector_store %arg5[%swap3A_407, %swap3A_408], %select_n3A_406 {strides = array<i32>} : memref<256x4096xf32, #tpu.memory_space<vmem>>, vector<256x4096xf32>,
    %get3A_410 = arith.constant 0 : index
    %get3A_411 = arith.constant 0 : index
    %get3A_412 = vector.load %arg5[%get3A_410, %get3A_411] : memref<256x4096xf32, #tpu.memory_space<vmem>>, vector<256x4096xf32>
    %reduce_min3A_413 = arith.constant dense<0x7F800000> : vector<256xf32>
    %reduce_min3A_414 = vector.multi_reduction <minimumf>, %get3A_412, %reduce_min3A_413 [1] : vector<256x4096xf32> to vector<256xf32>
    %broadcast_in_dim3A_415 = vector.shape_cast %reduce_min3A_414 : vector<256xf32> to vector<256x1xf32>
    %eq3A_416 = vector.broadcast %broadcast_in_dim3A_415 : vector<256x1xf32> to vector<256x4096xf32>
    %eq3A_417 = arith.cmpf oeq, %get3A_412, %eq3A_416 : vector<256x4096xf32>
    %jit3A_418 = arith.constant 4096 : i32
    %broadcast_in_dim3A_419 = vector.broadcast %jit3A_418 : i32 to vector<256x4096xi32>
    %select_n3A_420 = arith.select %eq3A_417, %iota3A, %broadcast_in_dim3A_419 : vector<256x4096xi1>, vector<256x4096xi32>
    %reduce_min3A_421 = arith.constant dense<2147483647> : vector<256xi32>
    %reduce_min3A_422 = vector.multi_reduction <minsi>, %select_n3A_420, %reduce_min3A_421 [1] : vector<256x4096xi32> to vector<256xi32>
    %add3A_423 = vector.broadcast %mul3A_23 : i32 to vector<256xi32>
    %add3A_424 = arith.addi %reduce_min3A_422, %add3A_423 : vector<256xi32>
    %swap3A_425 = arith.constant 0 : index
    %swap3A_426 = arith.constant 0 : index
    %swap3A_427 = arith.constant 13 : index
    %swap3A_428 = vector.load %arg4[%swap3A_425, %swap3A_426, %swap3A_427] : memref<1x256x16xi32, #tpu.memory_space<vmem>>, vector<1x256x1xi32>
    %swap3A_429 = vector.shape_cast %swap3A_428 : vector<1x256x1xi32> to vector<256xi32>
    %swap3A_430 = vector.shape_cast %add3A_424 : vector<256xi32> to vector<1x256x1xi32>
    tpu.vector_store %arg4[%swap3A_425, %swap3A_426, %swap3A_427], %swap3A_430 {strides = array<i32>} : memref<1x256x16xi32, #tpu.memory_space<vmem>>, vector<1x256x1xi32>,
    %broadcast_in_dim3A_431 = vector.shape_cast %reduce_min3A_422 : vector<256xi32> to vector<256x1xi32>
    %eq3A_432 = vector.broadcast %broadcast_in_dim3A_431 : vector<256x1xi32> to vector<256x4096xi32>
    %eq3A_433 = arith.cmpi eq, %iota3A, %eq3A_432 : vector<256x4096xi32>
    %jit3A_434 = arith.constant 3.000000e+38 : f32
    %broadcast_in_dim3A_435 = vector.broadcast %jit3A_434 : f32 to vector<256x4096xf32>
    %select_n3A_436 = arith.select %eq3A_433, %broadcast_in_dim3A_435, %get3A_412 : vector<256x4096xi1>, vector<256x4096xf32>
    %swap3A_437 = arith.constant 0 : index
    %swap3A_438 = arith.constant 0 : index
    %swap3A_439 = vector.load %arg5[%swap3A_437, %swap3A_438] : memref<256x4096xf32, #tpu.memory_space<vmem>>, vector<256x4096xf32>
    tpu.vector_store %arg5[%swap3A_437, %swap3A_438], %select_n3A_436 {strides = array<i32>} : memref<256x4096xf32, #tpu.memory_space<vmem>>, vector<256x4096xf32>,
    %get3A_440 = arith.constant 0 : index
    %get3A_441 = arith.constant 0 : index
    %get3A_442 = vector.load %arg5[%get3A_440, %get3A_441] : memref<256x4096xf32, #tpu.memory_space<vmem>>, vector<256x4096xf32>
    %reduce_min3A_443 = arith.constant dense<0x7F800000> : vector<256xf32>
    %reduce_min3A_444 = vector.multi_reduction <minimumf>, %get3A_442, %reduce_min3A_443 [1] : vector<256x4096xf32> to vector<256xf32>
    %broadcast_in_dim3A_445 = vector.shape_cast %reduce_min3A_444 : vector<256xf32> to vector<256x1xf32>
    %eq3A_446 = vector.broadcast %broadcast_in_dim3A_445 : vector<256x1xf32> to vector<256x4096xf32>
    %eq3A_447 = arith.cmpf oeq, %get3A_442, %eq3A_446 : vector<256x4096xf32>
    %jit3A_448 = arith.constant 4096 : i32
    %broadcast_in_dim3A_449 = vector.broadcast %jit3A_448 : i32 to vector<256x4096xi32>
    %select_n3A_450 = arith.select %eq3A_447, %iota3A, %broadcast_in_dim3A_449 : vector<256x4096xi1>, vector<256x4096xi32>
    %reduce_min3A_451 = arith.constant dense<2147483647> : vector<256xi32>
    %reduce_min3A_452 = vector.multi_reduction <minsi>, %select_n3A_450, %reduce_min3A_451 [1] : vector<256x4096xi32> to vector<256xi32>
    %add3A_453 = vector.broadcast %mul3A_23 : i32 to vector<256xi32>
    %add3A_454 = arith.addi %reduce_min3A_452, %add3A_453 : vector<256xi32>
    %swap3A_455 = arith.constant 0 : index
    %swap3A_456 = arith.constant 0 : index
    %swap3A_457 = arith.constant 14 : index
    %swap3A_458 = vector.load %arg4[%swap3A_455, %swap3A_456, %swap3A_457] : memref<1x256x16xi32, #tpu.memory_space<vmem>>, vector<1x256x1xi32>
    %swap3A_459 = vector.shape_cast %swap3A_458 : vector<1x256x1xi32> to vector<256xi32>
    %swap3A_460 = vector.shape_cast %add3A_454 : vector<256xi32> to vector<1x256x1xi32>
    tpu.vector_store %arg4[%swap3A_455, %swap3A_456, %swap3A_457], %swap3A_460 {strides = array<i32>} : memref<1x256x16xi32, #tpu.memory_space<vmem>>, vector<1x256x1xi32>,
    %broadcast_in_dim3A_461 = vector.shape_cast %reduce_min3A_452 : vector<256xi32> to vector<256x1xi32>
    %eq3A_462 = vector.broadcast %broadcast_in_dim3A_461 : vector<256x1xi32> to vector<256x4096xi32>
    %eq3A_463 = arith.cmpi eq, %iota3A, %eq3A_462 : vector<256x4096xi32>
    %jit3A_464 = arith.constant 3.000000e+38 : f32
    %broadcast_in_dim3A_465 = vector.broadcast %jit3A_464 : f32 to vector<256x4096xf32>
    %select_n3A_466 = arith.select %eq3A_463, %broadcast_in_dim3A_465, %get3A_442 : vector<256x4096xi1>, vector<256x4096xf32>
    %swap3A_467 = arith.constant 0 : index
    %swap3A_468 = arith.constant 0 : index
    %swap3A_469 = vector.load %arg5[%swap3A_467, %swap3A_468] : memref<256x4096xf32, #tpu.memory_space<vmem>>, vector<256x4096xf32>
    tpu.vector_store %arg5[%swap3A_467, %swap3A_468], %select_n3A_466 {strides = array<i32>} : memref<256x4096xf32, #tpu.memory_space<vmem>>, vector<256x4096xf32>,
    %get3A_470 = arith.constant 0 : index
    %get3A_471 = arith.constant 0 : index
    %get3A_472 = vector.load %arg5[%get3A_470, %get3A_471] : memref<256x4096xf32, #tpu.memory_space<vmem>>, vector<256x4096xf32>
    %reduce_min3A_473 = arith.constant dense<0x7F800000> : vector<256xf32>
    %reduce_min3A_474 = vector.multi_reduction <minimumf>, %get3A_472, %reduce_min3A_473 [1] : vector<256x4096xf32> to vector<256xf32>
    %broadcast_in_dim3A_475 = vector.shape_cast %reduce_min3A_474 : vector<256xf32> to vector<256x1xf32>
    %eq3A_476 = vector.broadcast %broadcast_in_dim3A_475 : vector<256x1xf32> to vector<256x4096xf32>
    %eq3A_477 = arith.cmpf oeq, %get3A_472, %eq3A_476 : vector<256x4096xf32>
    %jit3A_478 = arith.constant 4096 : i32
    %broadcast_in_dim3A_479 = vector.broadcast %jit3A_478 : i32 to vector<256x4096xi32>
    %select_n3A_480 = arith.select %eq3A_477, %iota3A, %broadcast_in_dim3A_479 : vector<256x4096xi1>, vector<256x4096xi32>
    %reduce_min3A_481 = arith.constant dense<2147483647> : vector<256xi32>
    %reduce_min3A_482 = vector.multi_reduction <minsi>, %select_n3A_480, %reduce_min3A_481 [1] : vector<256x4096xi32> to vector<256xi32>
    %add3A_483 = vector.broadcast %mul3A_23 : i32 to vector<256xi32>
    %add3A_484 = arith.addi %reduce_min3A_482, %add3A_483 : vector<256xi32>
    %swap3A_485 = arith.constant 0 : index
    %swap3A_486 = arith.constant 0 : index
    %swap3A_487 = arith.constant 15 : index
    %swap3A_488 = vector.load %arg4[%swap3A_485, %swap3A_486, %swap3A_487] : memref<1x256x16xi32, #tpu.memory_space<vmem>>, vector<1x256x1xi32>
    %swap3A_489 = vector.shape_cast %swap3A_488 : vector<1x256x1xi32> to vector<256xi32>
    %swap3A_490 = vector.shape_cast %add3A_484 : vector<256xi32> to vector<1x256x1xi32>
    tpu.vector_store %arg4[%swap3A_485, %swap3A_486, %swap3A_487], %swap3A_490 {strides = array<i32>} : memref<1x256x16xi32, #tpu.memory_space<vmem>>, vector<1x256x1xi32>,
    %broadcast_in_dim3A_491 = vector.shape_cast %reduce_min3A_482 : vector<256xi32> to vector<256x1xi32>
    %eq3A_492 = vector.broadcast %broadcast_in_dim3A_491 : vector<256x1xi32> to vector<256x4096xi32>
    %eq3A_493 = arith.cmpi eq, %iota3A, %eq3A_492 : vector<256x4096xi32>
    %jit3A_494 = arith.constant 3.000000e+38 : f32
    %broadcast_in_dim3A_495 = vector.broadcast %jit3A_494 : f32 to vector<256x4096xf32>
    %select_n3A_496 = arith.select %eq3A_493, %broadcast_in_dim3A_495, %get3A_472 : vector<256x4096xi1>, vector<256x4096xf32>
    %swap3A_497 = arith.constant 0 : index
    %swap3A_498 = arith.constant 0 : index
    %swap3A_499 = vector.load %arg5[%swap3A_497, %swap3A_498] : memref<256x4096xf32, #tpu.memory_space<vmem>>, vector<256x4096xf32>
    tpu.vector_store %arg5[%swap3A_497, %swap3A_498], %select_n3A_496 {strides = array<i32>} : memref<256x4096xf32, #tpu.memory_space<vmem>>, vector<256x4096xf32>,
    return
  }
  func.func @transform_0(%arg0: i32, %arg1: i32) -> (i32, i32, i32) {
    %c0_i32 = arith.constant 0 : i32
    %c0_i32_0 = arith.constant 0 : i32
    %c0_i32_1 = arith.constant 0 : i32
    return %arg0, %c0_i32, %c0_i32_0 : i32, i32, i32
  }
  func.func @transform_1(%arg0: i32, %arg1: i32) -> (i32, i32, i32) {
    %c0_i32 = arith.constant 0 : i32
    %c0_i32_0 = arith.constant 0 : i32
    return %arg0, %c0_i32, %arg1 : i32, i32, i32
  }
  func.func @transform_2(%arg0: i32, %arg1: i32) -> (i32, i32, i32) {
    %c0_i32 = arith.constant 0 : i32
    %c0_i32_0 = arith.constant 0 : i32
    return %arg0, %arg1, %c0_i32 : i32, i32, i32
  }
}

module attributes {stable_mosaic.version = 14 : i64} {
  func.func @_mm_kernel(%arg0: i32, %arg1: memref<8192x128xf32, #tpu.memory_space<vmem>>, %arg2: memref<256x128xf32, #tpu.memory_space<vmem>>, %arg3: memref<1x256xf32, #tpu.memory_space<vmem>>, %arg4: memref<512x256xf32, #tpu.memory_space<vmem>>, %arg5: memref<1x256xf32, #tpu.memory_space<vmem>>, %arg6: memref<1x256xf32, #tpu.memory_space<vmem>>) attributes {dimension_semantics = [#tpu.dimension_semantics<arbitrary>], iteration_bounds = array<i64: 32>, scalar_prefetch = 0 : i64, scratch_operands = 0 : i64, tpu.core_type = #tpu.core_type<tc>, window_params = [{transform_indices = @transform_0, window_bounds = array<i64: 8192, 128>}, {pipeline_mode = #tpu.pipeline_mode<synchronous>, transform_indices = @transform_1, window_bounds = array<i64: 256, 128>}, {pipeline_mode = #tpu.pipeline_mode<synchronous>, transform_indices = @transform_2, window_bounds = array<i64: 1, 256>}, {transform_indices = @transform_3, window_bounds = array<i64: 512, 256>}, {pipeline_mode = #tpu.pipeline_mode<synchronous>, transform_indices = @transform_4, window_bounds = array<i64: 1, 256>}, {pipeline_mode = #tpu.pipeline_mode<synchronous>, transform_indices = @transform_5, window_bounds = array<i64: 1, 256>}]} {
    %get3A = arith.constant 0 : index
    %get3A_0 = arith.constant 0 : index
    %get3A_1 = vector.load %arg1[%get3A, %get3A_0] : memref<8192x128xf32, #tpu.memory_space<vmem>>, vector<8192x128xf32>
    %get3A_2 = arith.constant 0 : index
    %get3A_3 = arith.constant 0 : index
    %get3A_4 = vector.load %arg2[%get3A_2, %get3A_3] : memref<256x128xf32, #tpu.memory_space<vmem>>, vector<256x128xf32>
    %dot_general3A = arith.constant dense<0.000000e+00> : vector<8192x256xf32>
    %dot_general3A_5 = tpu.matmul %get3A_1, %get3A_4, %dot_general3A {dimension_numbers = #tpu.dot_dimension_numbers<[1], [1], [0], [0], [0, 0, 1, 0], [], []>, transpose_lhs_hint = false} : vector<8192x128xf32>, vector<256x128xf32>, vector<8192x256xf32> -> vector<8192x256xf32>
    %get3A_6 = arith.constant 0 : index
    %get3A_7 = arith.constant 0 : index
    %get3A_8 = vector.load %arg3[%get3A_6, %get3A_7] : memref<1x256xf32, #tpu.memory_space<vmem>>, vector<1x256xf32>
    %add3A = vector.broadcast %get3A_8 : vector<1x256xf32> to vector<8192x256xf32>
    %add3A_9 = arith.addf %dot_general3A_5, %add3A : vector<8192x256xf32>
    %eq3A = arith.constant 0 : i32
    %eq3A_10 = arith.cmpi eq, %arg0, %eq3A : i32
    %convert_element_type3A = arith.extui %eq3A_10 : i1 to i32
    %cond3A = arith.constant 0 : i32
    %cond3A_11 = arith.cmpi ne, %convert_element_type3A, %cond3A : i32
    scf.if %cond3A_11 {
      %broadcast_in_dim3A_33 = arith.constant 0.000000e+00 : f32
      %broadcast_in_dim3A_34 = vector.broadcast %broadcast_in_dim3A_33 : f32 to vector<1x256xf32>
      %swap3A_35 = arith.constant 0 : index
      %swap3A_36 = arith.constant 0 : index
      %swap3A_37 = vector.load %arg5[%swap3A_35, %swap3A_36] : memref<1x256xf32, #tpu.memory_space<vmem>>, vector<1x256xf32>
      tpu.vector_store %arg5[%swap3A_35, %swap3A_36], %broadcast_in_dim3A_34 {strides = array<i32>} : memref<1x256xf32, #tpu.memory_space<vmem>>, vector<1x256xf32>,
      %broadcast_in_dim3A_38 = arith.constant 0.000000e+00 : f32
      %broadcast_in_dim3A_39 = vector.broadcast %broadcast_in_dim3A_38 : f32 to vector<1x256xf32>
      %swap3A_40 = arith.constant 0 : index
      %swap3A_41 = arith.constant 0 : index
      %swap3A_42 = vector.load %arg6[%swap3A_40, %swap3A_41] : memref<1x256xf32, #tpu.memory_space<vmem>>, vector<1x256xf32>
      tpu.vector_store %arg6[%swap3A_40, %swap3A_41], %broadcast_in_dim3A_39 {strides = array<i32>} : memref<1x256xf32, #tpu.memory_space<vmem>>, vector<1x256xf32>,
    } else {
    }
    %get3A_12 = arith.constant 0 : index
    %get3A_13 = arith.constant 0 : index
    %get3A_14 = vector.load %arg5[%get3A_12, %get3A_13] : memref<1x256xf32, #tpu.memory_space<vmem>>, vector<1x256xf32>
    %reduce_sum3A = arith.constant dense<0.000000e+00> : vector<256xf32>
    %reduce_sum3A_15 = vector.multi_reduction <add>, %add3A_9, %reduce_sum3A [0] : vector<8192x256xf32> to vector<256xf32>
    %broadcast_in_dim3A = vector.shape_cast %reduce_sum3A_15 : vector<256xf32> to vector<1x256xf32>
    %add3A_16 = arith.addf %get3A_14, %broadcast_in_dim3A : vector<1x256xf32>
    %swap3A = arith.constant 0 : index
    %swap3A_17 = arith.constant 0 : index
    %swap3A_18 = vector.load %arg5[%swap3A, %swap3A_17] : memref<1x256xf32, #tpu.memory_space<vmem>>, vector<1x256xf32>
    tpu.vector_store %arg5[%swap3A, %swap3A_17], %add3A_16 {strides = array<i32>} : memref<1x256xf32, #tpu.memory_space<vmem>>, vector<1x256xf32>,
    %get3A_19 = arith.constant 0 : index
    %get3A_20 = arith.constant 0 : index
    %get3A_21 = vector.load %arg6[%get3A_19, %get3A_20] : memref<1x256xf32, #tpu.memory_space<vmem>>, vector<1x256xf32>
    %mul3A = arith.mulf %add3A_9, %add3A_9 : vector<8192x256xf32>
    %reduce_sum3A_22 = arith.constant dense<0.000000e+00> : vector<256xf32>
    %reduce_sum3A_23 = vector.multi_reduction <add>, %mul3A, %reduce_sum3A_22 [0] : vector<8192x256xf32> to vector<256xf32>
    %broadcast_in_dim3A_24 = vector.shape_cast %reduce_sum3A_23 : vector<256xf32> to vector<1x256xf32>
    %add3A_25 = arith.addf %get3A_21, %broadcast_in_dim3A_24 : vector<1x256xf32>
    %swap3A_26 = arith.constant 0 : index
    %swap3A_27 = arith.constant 0 : index
    %swap3A_28 = vector.load %arg6[%swap3A_26, %swap3A_27] : memref<1x256xf32, #tpu.memory_space<vmem>>, vector<1x256xf32>
    tpu.vector_store %arg6[%swap3A_26, %swap3A_27], %add3A_25 {strides = array<i32>} : memref<1x256xf32, #tpu.memory_space<vmem>>, vector<1x256xf32>,
    %reshape3A = vector.shape_cast %add3A_9 : vector<8192x256xf32> to vector<512x16x256xf32>
    %reduce_max3A = arith.constant dense<0xFF800000> : vector<512x256xf32>
    %reduce_max3A_29 = vector.multi_reduction <maximumf>, %reshape3A, %reduce_max3A [1] : vector<512x16x256xf32> to vector<512x256xf32>
    %swap3A_30 = arith.constant 0 : index
    %swap3A_31 = arith.constant 0 : index
    %swap3A_32 = vector.load %arg4[%swap3A_30, %swap3A_31] : memref<512x256xf32, #tpu.memory_space<vmem>>, vector<512x256xf32>
    tpu.vector_store %arg4[%swap3A_30, %swap3A_31], %reduce_max3A_29 {strides = array<i32>} : memref<512x256xf32, #tpu.memory_space<vmem>>, vector<512x256xf32>,
    return
  }
  func.func @transform_0(%arg0: i32) -> (i32, i32) {
    %c0_i32 = arith.constant 0 : i32
    %c0_i32_0 = arith.constant 0 : i32
    return %arg0, %c0_i32 : i32, i32
  }
  func.func @transform_1(%arg0: i32) -> (i32, i32) {
    %c0_i32 = arith.constant 0 : i32
    %c0_i32_0 = arith.constant 0 : i32
    %c0_i32_1 = arith.constant 0 : i32
    return %c0_i32, %c0_i32_0 : i32, i32
  }
  func.func @transform_2(%arg0: i32) -> (i32, i32) {
    %c0_i32 = arith.constant 0 : i32
    %c0_i32_0 = arith.constant 0 : i32
    %c0_i32_1 = arith.constant 0 : i32
    return %c0_i32, %c0_i32_0 : i32, i32
  }
  func.func @transform_3(%arg0: i32) -> (i32, i32) {
    %c0_i32 = arith.constant 0 : i32
    %c0_i32_0 = arith.constant 0 : i32
    return %arg0, %c0_i32 : i32, i32
  }
  func.func @transform_4(%arg0: i32) -> (i32, i32) {
    %c0_i32 = arith.constant 0 : i32
    %c0_i32_0 = arith.constant 0 : i32
    %c0_i32_1 = arith.constant 0 : i32
    return %c0_i32, %c0_i32_0 : i32, i32
  }
  func.func @transform_5(%arg0: i32) -> (i32, i32) {
    %c0_i32 = arith.constant 0 : i32
    %c0_i32_0 = arith.constant 0 : i32
    %c0_i32_1 = arith.constant 0 : i32
    return %c0_i32, %c0_i32_0 : i32, i32
  }
}

module attributes {stable_mosaic.version = 14 : i64} {
  func.func @_norm_kernel(%arg0: i32, %arg1: memref<4096x256xf32, #tpu.memory_space<vmem>>, %arg2: memref<1x256xf32, #tpu.memory_space<vmem>>, %arg3: memref<1x256xf32, #tpu.memory_space<vmem>>, %arg4: memref<1x256xf32, #tpu.memory_space<vmem>>, %arg5: memref<1x256xf32, #tpu.memory_space<vmem>>, %arg6: memref<4096x256xf32, #tpu.memory_space<vmem>>) attributes {dimension_semantics = [#tpu.dimension_semantics<arbitrary>], iteration_bounds = array<i64: 4>, scalar_prefetch = 0 : i64, scratch_operands = 0 : i64, tpu.core_type = #tpu.core_type<tc>, window_params = [{transform_indices = @transform_0, window_bounds = array<i64: 4096, 256>}, {pipeline_mode = #tpu.pipeline_mode<synchronous>, transform_indices = @transform_1, window_bounds = array<i64: 1, 256>}, {pipeline_mode = #tpu.pipeline_mode<synchronous>, transform_indices = @transform_2, window_bounds = array<i64: 1, 256>}, {pipeline_mode = #tpu.pipeline_mode<synchronous>, transform_indices = @transform_3, window_bounds = array<i64: 1, 256>}, {pipeline_mode = #tpu.pipeline_mode<synchronous>, transform_indices = @transform_4, window_bounds = array<i64: 1, 256>}, {transform_indices = @transform_5, window_bounds = array<i64: 4096, 256>}]} {
    %get3A = arith.constant 0 : index
    %get3A_0 = arith.constant 0 : index
    %get3A_1 = vector.load %arg2[%get3A, %get3A_0] : memref<1x256xf32, #tpu.memory_space<vmem>>, vector<1x256xf32>
    %mul3A = arith.constant 3.81469727E-6 : f32
    %mul3A_2 = vector.broadcast %mul3A : f32 to vector<1x256xf32>
    %mul3A_3 = arith.mulf %get3A_1, %mul3A_2 : vector<1x256xf32>
    %get3A_4 = arith.constant 0 : index
    %get3A_5 = arith.constant 0 : index
    %get3A_6 = vector.load %arg3[%get3A_4, %get3A_5] : memref<1x256xf32, #tpu.memory_space<vmem>>, vector<1x256xf32>
    %mul3A_7 = arith.constant 3.81469727E-6 : f32
    %mul3A_8 = vector.broadcast %mul3A_7 : f32 to vector<1x256xf32>
    %mul3A_9 = arith.mulf %get3A_6, %mul3A_8 : vector<1x256xf32>
    %mul3A_10 = arith.mulf %mul3A_3, %mul3A_3 : vector<1x256xf32>
    %sub3A = arith.subf %mul3A_9, %mul3A_10 : vector<1x256xf32>
    %get3A_11 = arith.constant 0 : index
    %get3A_12 = arith.constant 0 : index
    %get3A_13 = vector.load %arg4[%get3A_11, %get3A_12] : memref<1x256xf32, #tpu.memory_space<vmem>>, vector<1x256xf32>
    %add3A = arith.constant 9.99999974E-6 : f32
    %add3A_14 = vector.broadcast %add3A : f32 to vector<1x256xf32>
    %add3A_15 = arith.addf %sub3A, %add3A_14 : vector<1x256xf32>
    %rsqrt3A = math.rsqrt %add3A_15 : vector<1x256xf32>
    %mul3A_16 = arith.mulf %get3A_13, %rsqrt3A : vector<1x256xf32>
    %get3A_17 = arith.constant 0 : index
    %get3A_18 = arith.constant 0 : index
    %get3A_19 = vector.load %arg1[%get3A_17, %get3A_18] : memref<4096x256xf32, #tpu.memory_space<vmem>>, vector<4096x256xf32>
    %sub3A_20 = vector.broadcast %mul3A_3 : vector<1x256xf32> to vector<4096x256xf32>
    %sub3A_21 = arith.subf %get3A_19, %sub3A_20 : vector<4096x256xf32>
    %mul3A_22 = vector.broadcast %mul3A_16 : vector<1x256xf32> to vector<4096x256xf32>
    %mul3A_23 = arith.mulf %sub3A_21, %mul3A_22 : vector<4096x256xf32>
    %get3A_24 = arith.constant 0 : index
    %get3A_25 = arith.constant 0 : index
    %get3A_26 = vector.load %arg5[%get3A_24, %get3A_25] : memref<1x256xf32, #tpu.memory_space<vmem>>, vector<1x256xf32>
    %add3A_27 = vector.broadcast %get3A_26 : vector<1x256xf32> to vector<4096x256xf32>
    %add3A_28 = arith.addf %mul3A_23, %add3A_27 : vector<4096x256xf32>
    %max3A = arith.constant 0.000000e+00 : f32
    %max3A_29 = vector.broadcast %max3A : f32 to vector<4096x256xf32>
    %max3A_30 = arith.maximumf %add3A_28, %max3A_29 : vector<4096x256xf32>
    %swap3A = arith.constant 0 : index
    %swap3A_31 = arith.constant 0 : index
    %swap3A_32 = vector.load %arg6[%swap3A, %swap3A_31] : memref<4096x256xf32, #tpu.memory_space<vmem>>, vector<4096x256xf32>
    tpu.vector_store %arg6[%swap3A, %swap3A_31], %max3A_30 {strides = array<i32>} : memref<4096x256xf32, #tpu.memory_space<vmem>>, vector<4096x256xf32>,
    return
  }
  func.func @transform_0(%arg0: i32) -> (i32, i32) {
    %c0_i32 = arith.constant 0 : i32
    %c0_i32_0 = arith.constant 0 : i32
    return %arg0, %c0_i32 : i32, i32
  }
  func.func @transform_1(%arg0: i32) -> (i32, i32) {
    %c0_i32 = arith.constant 0 : i32
    %c0_i32_0 = arith.constant 0 : i32
    %c0_i32_1 = arith.constant 0 : i32
    return %c0_i32, %c0_i32_0 : i32, i32
  }
  func.func @transform_2(%arg0: i32) -> (i32, i32) {
    %c0_i32 = arith.constant 0 : i32
    %c0_i32_0 = arith.constant 0 : i32
    %c0_i32_1 = arith.constant 0 : i32
    return %c0_i32, %c0_i32_0 : i32, i32
  }
  func.func @transform_3(%arg0: i32) -> (i32, i32) {
    %c0_i32 = arith.constant 0 : i32
    %c0_i32_0 = arith.constant 0 : i32
    %c0_i32_1 = arith.constant 0 : i32
    return %c0_i32, %c0_i32_0 : i32, i32
  }
  func.func @transform_4(%arg0: i32) -> (i32, i32) {
    %c0_i32 = arith.constant 0 : i32
    %c0_i32_0 = arith.constant 0 : i32
    %c0_i32_1 = arith.constant 0 : i32
    return %c0_i32, %c0_i32_0 : i32, i32
  }
  func.func @transform_5(%arg0: i32) -> (i32, i32) {
    %c0_i32 = arith.constant 0 : i32
    %c0_i32_0 = arith.constant 0 : i32
    return %arg0, %c0_i32 : i32, i32
  }
}

</mosaic_0001>

<sc_bundles>
// kernel: kernel.7.cloned.1.call-start
scs
__scs_entry_jumppad:
0x0: {  	(pc) =	sbr.rel $0x88, $3  }
0x1: {  	(tag) =	ssettag $0x0;
	lr =	simm.s32 $0x1  }
0x2: {  	[smem:$0x3F9B] =	sst lr;
	_ =	strace $0xD0000000  }
0x3: {  	_ = 	snop  }
0x4: {  	_ = 	snop  }
0x5: {  	_ = 	snop  }
0x6: {  	_ = 	snop  }
0x7: {  	_ = 	snop  }
__scs_overlays_trampoline_lowered:
0x8: {  	[smem:$0x3FAA] =	sst s0  }
0x9: {  	[smem:$0x3FAB] =	sst s1  }
0xa: {  	[smem:$0x3FAC] =	sst s2  }
0xb: {  	[smem:$0x3FAD] =	sst s3  }
0xc: {  	[smem:$0x3FAE] =	sst s4  }
0xd: {  	[smem:$0x3FAF] =	sst s5  }
0xe: {  	[smem:$0x3FB0] =	sst s6  }
0xf: {  	[smem:$0x3FB1] =	sst s7  }
0x10: {  	[smem:$0x3FB2] =	sst s8  }
0x11: {  	[smem:$0x3FB3] =	sst s9;
	s0 =	simm.s32 @!p0 $0x0  }
0x12: {  	s1 =	sld [smem:$0x3F99];
	s0 =	simm.s32 @p0 $0x1  }
0x13: {  	[smem:$0x3FB4] =	sst s0;
	s0 =	simm.s32 @!p1 $0x0  }
0x14: {  	s2 =	sld [smem:$0x3F98];
	s0 =	simm.s32 @p1 $0x1  }
0x15: {  	[smem:$0x3FB5] =	sst s0;
	s0 =	simm.s32 @!p2 $0x0  }
0x16: {  	s3 =	sld [smem:$0x3FDB];
	s0 =	simm.s32 @p2 $0x1  }
0x17: {  	s4 =	simm.s32 $0x1BF5;
	[smem:$0x3FB7] =	sst s0  }
0x18: {  	s0 =	sld [smem:$0x3F9A];
	_ =	swait.ge [sflag:s4], $0x0  }
0x19: {  	s7 =	sld [smem:$0x3F9B]  }
0x1a: {  	s8 =	sadd.s32 $0xFFFFE003, lr  }
0x1b: {  	s9 =	sadd.s32 $0xFFFFFEF7, lr;
	s5 =	simm.s32 $0xFFFFFFFF;
	p2 =	slt.u32 s8, $0xFFFFF086  }
0x1c: {  	p1 =	slt.u32 s9, $0xF7A;
	s5 =	simm.s32 @!p2 $0x0  }
0x1d: {  	s5 =	simm.s32 @p1 $0x1;
	p0 =	seq.s32 s7, s2  }
0x1e: {  	s7 =	smul.u32 @!p0 $0xF7A, s2;
	p2 =	seq.s32 @!p0 s5, $0x0  }
0x1f: {  	s9 =	smul.u32 $0xF7A, s1;
	s8 =	simm.s32 @!p0 $0x1BF5;
	p2 =	por !p2, p0  }
0x20: {  	[sflag:s8] =	ssyncset.s32 @!p0 $0xFFFFF086;
	s6 =	sadd.s32 @!p0 s3, s7;
	s7 =	simm.s32 @!p0 $0x108  }
0x21: {  	s3 =	sadd.s32 s3, s9;
	s6 =	sadd.s32 @!p0 $0x88, s6;
	s7 =	simm.s32 @p2 $0x1082  }
0x22: {  	[simem:s7], [sflag:s8] =	dma.local @!p0 [hbm:s6], $0xF7A  }
0x23: {  	s9 =	sor.u32 $0xD0000000, s2;
	s6 =	simm.s32 $0x108;
	_ =	swait.ge @!p0 [sflag:s8], $0x0  }
0x24: {  	s3 =	sadd.s32 $0x88, s3;
	s6 =	simm.s32 @!p1 $0x1082;
	[sflag:s4] =	ssyncset.s32 $0xFFFFF086  }
0x25: {  	[simem:s6], [sflag:s4] =	dma.local [hbm:s3], $0xF7A  }
0x26: {  	[smem:$0x3F9B] =	sst s1;
	(tag) =	ssettag s2;
	_ =	strace s9  }
0x27: {  	s1 =	sld [smem:$0x3FAB]  }
0x28: {  	s2 =	sld [smem:$0x3FAC]  }
0x29: {  	s4 =	sld [smem:$0x3FAE]  }
0x2a: {  	p0 =	seq.s32 s5, $0x0;
	s5 =	sld [smem:$0x3FAF]  }
0x2b: {  	s6 =	sld [smem:$0x3FB0]  }
0x2c: {  	s7 =	sld [smem:$0x3FB1]  }
0x2d: {  	s3 =	simm.s32 $0x108;
	s8 =	sld [smem:$0x3FB2]  }
0x2e: {  	s3 =	simm.s32 @!p0 $0x1082;
	s9 =	sld [smem:$0x3FB3]  }
0x2f: {  	lr =	sadd.s32 s0, s3;
	s0 =	sld [smem:$0x3FAA]  }
0x30: {  	s3 =	sld [smem:$0x3FAD]  }
0x31: {  	[smem:$0x3FB6] =	sst s10  }
0x32: {  	s10 =	sld [smem:$0x3FB4];
	_ =	sdelay $0x3  }
0x33: {  	p0 =	seq.s32 s10, $0x1;
	s10 =	sld [smem:$0x3FB6];
	_ =	sdelay $0x3  }
0x34: {  	[smem:$0x3FB6] =	sst s10  }
0x35: {  	s10 =	sld [smem:$0x3FB5];
	_ =	sdelay $0x3  }
0x36: {  	p1 =	seq.s32 s10, $0x1;
	s10 =	sld [smem:$0x3FB6];
	_ =	sdelay $0x3  }
0x37: {  	[smem:$0x3FB6] =	sst s10  }
0x38: {  	s10 =	sld [smem:$0x3FB7]  }
0x39: {  	_ = 	snop;
	(pc) =	sbr.ind lr, $3  }
0x3a: {  	_ = 	snop  }
0x3b: {  	_ = 	snop  }
0x3c: {  	p2 =	seq.s32 s10, $0x1;
	s10 =	sld [smem:$0x3FB6]  }
0x3d: {  	_ =	shalt  }
0x3e: {  	_ =	shalt  }
0x3f: {  	_ =	shalt  }
0x40: {  	_ =	shalt  }
0x41: {  	_ =	shalt  }
0x42: {  	_ =	shalt  }
0x43: {  	_ =	shalt  }
0x44: {  	_ =	shalt  }
0x45: {  	_ =	shalt  }
0x46: {  	_ =	shalt  }
0x47: {  	_ =	shalt  }
0x48: {  	_ =	shalt  }
0x49: {  	_ =	shalt  }
0x4a: {  	_ =	shalt  }
0x4b: {  	_ =	shalt  }
0x4c: {  	_ =	shalt  }
0x4d: {  	_ =	shalt  }
0x4e: {  	_ =	shalt  }
0x4f: {  	_ =	shalt  }
0x50: {  	_ =	shalt  }
0x51: {  	_ =	shalt  }
0x52: {  	_ =	shalt  }
0x53: {  	_ =	shalt  }
0x54: {  	_ =	shalt  }
0x55: {  	_ =	shalt  }
0x56: {  	_ =	shalt  }
0x57: {  	_ =	shalt  }
0x58: {  	_ =	shalt  }
0x59: {  	_ =	shalt  }
0x5a: {  	_ =	shalt  }
0x5b: {  	_ =	shalt  }
0x5c: {  	_ =	shalt  }
0x5d: {  	_ =	shalt  }
0x5e: {  	_ =	shalt  }
0x5f: {  	_ =	shalt  }
0x60: {  	_ =	shalt  }
0x61: {  	_ =	shalt  }
0x62: {  	_ =	shalt  }
0x63: {  	_ =	shalt  }
0x64: {  	_ =	shalt  }
0x65: {  	_ =	shalt  }
0x66: {  	_ =	shalt  }
0x67: {  	_ =	shalt  }
0x68: {  	_ =	shalt  }
0x69: {  	_ =	shalt  }
0x6a: {  	_ =	shalt  }
0x6b: {  	_ =	shalt  }
0x6c: {  	_ =	shalt  }
0x6d: {  	_ =	shalt  }
0x6e: {  	_ =	shalt  }
0x6f: {  	_ =	shalt  }
0x70: {  	_ =	shalt  }
0x71: {  	_ =	shalt  }
0x72: {  	_ =	shalt  }
0x73: {  	_ =	shalt  }
0x74: {  	_ =	shalt  }
0x75: {  	_ =	shalt  }
0x76: {  	_ =	shalt  }
0x77: {  	_ =	shalt  }
0x78: {  	_ =	shalt  }
0x79: {  	_ =	shalt  }
0x7a: {  	_ =	shalt  }
0x7b: {  	_ =	shalt  }
0x7c: {  	_ =	shalt  }
0x7d: {  	_ =	shalt  }
0x7e: {  	_ =	shalt  }
0x7f: {  	_ =	shalt  }
0x80: {  	_ =	shalt  }
0x81: {  	_ =	shalt  }
0x82: {  	_ =	shalt  }
0x83: {  	_ =	shalt  }
0x84: {  	_ =	shalt  }
0x85: {  	_ =	shalt  }
0x86: {  	_ =	shalt  }
0x87: {  	_ =	shalt  }
.Lfunc_end0:
.L_simem_size_0:
called_computation_lowered:
.L_overlay_start_0:
0x88: {  	s2 =	sld [smem:$0x3FD9]  }
0x89: {  	s3 =	sld [smem:$0x3FFE];
	_ =	sdelay $0x1  }
0x8a: {  	s1 =	srdreg.scid  }
0x8b: {  	s0 =	sand.u32 $0x1, s1  }
0x8c: {  	s14 =	sshll.u32 s0, $0xA;
	s2 =	sadd.s32 s3, s2  }
0x8d: {  	s2 =	sadd.s32 s2, s14  }
0x8e: {  	[smem:$0x3FC2] =	sst s2  }
0x8f: {  	_ = 	snop  }
0x90: {  	s2 =	sld [smem:$0x3FD0];
	_ =	sdelay $0x2  }
0x91: {  	s4 =	simm.s32 $0xA;
	s5 =	simm.s32 $0x10;
	s15 =	sld [smem:$0x3FC9]  }
0x92: {  	[smem:s5], [sflag:s4] =	dma.local [hbm:s2], $0x1  }
0x93: {  	_ =	swait.eq [sflag:s4], $0x1  }
0x94: {  	[sflag:s4] =	ssyncset.done $0x0  }
0x95: {  	[sflag:s4] =	ssyncadd.s32 $0xFFFFFFFF  }
0x96: {  	s16 =	sld [smem:$0x10];
	(tm) =	ssettm $0x1  }
0x97: {  	s17 =	sld [smem:$0x3FFB];
	_ =	sdelay $0x3  }
0x98: {  	_ =	strace s17  }
0x99: {  	s4 =	sld [smem:$0x3FFC];
	_ =	sdelay $0x3  }
0x9a: {  	_ =	strace s4  }
0x9b: {  	s4 =	sld [smem:$0x3FFD];
	_ =	sdelay $0x3  }
0x9c: {  	_ =	strace s4  }
0x9d: {  	_ =	strace $0x8FFFFFFF  }
0x9e: {  	s18 =	sld [smem:$0x3FDB];
	_ =	sdelay $0x1  }
0x9f: {  	s19 =	simm.s32 $_scs_section_size  }
0xa0: {  	s6 =	simm.s32 $_size__tile_overlayer_lowered;
	s7 =	simm.s32 $_tile_overlayer_lowered  }
0xa1: {  	s22 =	simm.s32 $0x1BFF;
	s21 =	sshll.u32 s7, $0x1;
	s4 =	sadd.s32 s19, s18  }
0xa2: {  	s8 =	simm.s32 $0x0;
	s20 =	sshll.u32 s6, $0x1;
	s6 =	sadd.s32 s21, s4  }
0xa3: {  	[timem:s8], [sflag:s22] =	dma.local [hbm:s6], s20  }
0xa4: {  	_ =	swait.ge [sflag:s22], s20  }
0xa5: {  	s5 =	ssub.s32 $0x0, s20;
	[sflag:s22] =	ssyncset.done $0x0  }
0xa6: {  	[sflag:s22] =	ssyncadd.s32 s5;
	_ =	sdelay $0x1  }
0xa7: {  	s23 =	simm.s32 $0x1B8B  }
0xa8: {  	_ =	swait.ge [sflag:s23], $0x1  }
0xa9: {  	[sflag:s23] =	ssyncset.done $0x0  }
0xaa: {  	s25 =	simm.s32 $0x1B8E;
	s24 =	sld [smem:$0x3FFE];
	[sflag:s23] =	ssyncadd.s32 $0xFFFFFFFF  }
0xab: {  	s26 =	simm.s32 $execute0_lowered;
	[smem:$0x3FD2] =	sst s25  }
0xac: {  	s6 =	sshll.u32 s26, $0x1;
	_ =	strace $0x80000046;
	[dreg:$0x1] =	wrdreg $0xFFFFFFFF  }
0xad: {  	s28 =	simm.s32 $_size_execute0_lowered;
	s4 =	sadd.s32 s4, s6;
	[dreg:$0x0] =	wrdreg $0x0  }
0xae: {  	s6 =	sshll.u32 s28, $0x1;
	[dreg:$0x2] =	wrdreg s4  }
0xaf: {  	[dreg:$0x3] =	wrdreg s6  }
0xb0: {  	[dreg:$0x4] =	wrdreg $0xC0  }
0xb1: {  	_ =	task [dreg:s8], $0x5FFFF  }
0xb2: {  	[dreg:$0x1] =	wrdreg $0xFFFFFFFF  }
0xb3: {  	[dreg:$0x0] =	wrdreg $0x60  }
0xb4: {  	[dreg:$0x2] =	wrdreg s15  }
0xb5: {  	[dreg:$0x3] =	wrdreg s16  }
0xb6: {  	[dreg:$0x4] =	wrdreg s24  }
0xb7: {  	[dreg:$0x5] =	wrdreg $0x9  }
0xb8: {  	_ =	task.clear_ibuf [dreg:s8], $0x6FFFF;
	_ =	strace $0x90000046  }
0xb9: {  	s29 =	simm.s32 $0x9;
	_ =	strace $0x8000004F  }
0xba: {  	_ =	swait.ge [sflag:s29], $0x1  }
0xbb: {  	[sflag:s29] =	ssyncadd.s32 $0xFFFFFFFF  }
0xbc: {  	_ =	strace $0x9000004F  }
0xbd: {  	_ =	sfence  }
0xbe: {  	s30 =	sld [smem:$0x0];
	_ =	sdelay $0x2  }
0xbf: {  	s31 =	sshll.u32 s1, $0xD;
	s1 =	sshrl.u32 s1, $0x2  }
0xc0: {  	s3 =	sand.u32 $0x4000, s31;
	s1 =	sadd.s32 s1, s30  }
0xc1: {  	s0 =	sor.u32 s3, s0;
	s1 =	sshll.u32 s1, $0x11  }
0xc2: {  	s0 =	sor.u32 s1, s0  }
0xc3: {  	s0 =	sadd.s32 $0x8F2B, s0  }
0xc4: {  	[sflag:s0] =	ssyncadd.remote.s32 $0x1  }
0xc5: {  	_ =	sfence.sel $0xFFFF  }
0xc6: {  	[dreg:$0x0] =	wrdreg $0xFFFFFFFF;
	(pc) =	sbr.abs _section_cstart, $3  }
0xc7: {  	[dreg:$0x1] =	wrdreg $0xFFFFFFFF  }
0xc8: {  	_ =	task.clear_ibuf [dreg:s8], $0x2FFFF;
	_ =	strace $0x9FFFFFFF  }
0xc9: {  	(tm) =	ssettm $0x7FFFFFFF  }
tec
execute0_lowered:
.L_overlay_start_1:
0x0: {  	(tag) =	ssettag $0x1  }
0x1: {  	s0 =	rddreg [dreg:$0x0]  }
0x2: {  	s1 =	rddreg [dreg:$0x1]  }
0x3: {  	s3 =	rddreg [dreg:$0x2]  }
0x4: {  	s2 =	simm.s32 $0x0;
	s4 =	srdreg.scid;
	[dreg:$0x4] =	wrdreg s0  }
0x5: {  	s7 =	simm.s32 $0x1;
	s8 =	simm.s32 $0x80;
	s0 =	rddreg [dreg:$0x3]  }
0x6: {  	s9 =	simm.s32 $0x5;
	[smem:$0x7FF] =	sst s2;
	s4 =	sand.u32 $0x1, s4  }
0x7: {  	s3 =	sadd.s32 $0x2E00, s3;
	_ =	strace $0x80000047;
	s4 =	ssub.s32 $0x2, s4  }
0x8: {  	[dreg:$0x5] =	wrdreg s3;
	s3 =	stileid.u32;
	s5 =	sshrl.u32 s4, $0x1  }
0x9: {  	s10 =	simm.s32 $0x0;
	s31 =	sshll.u32 s3, $0xB;
	s6 =	ssub.s32 s4, s5  }
0xa: {  	s4 =	sshll.u32 s3, $0x7;
	s5 =	sadd.s32 s1, s31;
	s6 =	smax.u32 s6, $0x1  }
.LBB2_1:
0xb: {  	_ =	strace $0x80000048;
	s11 =	simm.s32 $0x1;
	p0 =	por $0x0, $0x0  }
0xc: {  	[tilespmem:s2], [sflag:$0x1] =	stream.linear.gather [hbm4b:s5+s2], $0x80, $0x200038;
	[tilespmem:$0x8100] =	vst v63  }
0xd: {  	s11 =	simm.s32 @p0 $0x0  }
0xe: {  	p5 =	por $0x1, $0x1;
	p1 =	sne.s32 s11, $0x0  }
0xf: {  	p0 =	por !p5, !p1  }
0x10: {  	s21 =	sand.u32 $0x1, s2;
	p3 =	por !p0, !p0  }
0x11: {  	s31 =	simm.s32 $0x0;
	s18 =	sadd.s32 $0x0, s4;
	s12 =	sadd.s32 @p3 s4, s11  }
0x12: {  	_ =	strace $0x90000048;
	s13 =	sand.u32 @p3 $0x1, s7;
	s12 =	sshll.u32 @p3 s12, $0x4  }
0x13: {  	s14 =	simm.s32 @p3 $0x0;
	_ =	strace @p3 $0x80000049;
	s12 =	sand.u32 @p3 $0x1FFFFFF0, s12  }
0x14: {  	s15 =	sshll.u32 @p3 s13, $0x7;
	s13 =	sadd.s32 @p3 $0x1, s13;
	s12 =	sadd.s32 @p3 s1, s12  }
0x15: {  	[tilespmem:s15], [sflag:s13] =	stream.linear.gather @p3 [hbm4b:s12+s14], $0x80, $0x200038;
	[tilespmem:$0x8100] =	vst v63  }
0x16: {  	p4 =	por $0x0, $0x0;
	p6 =	por $0x0, $0x0;
	_ =	strace @p3 $0x90000049  }
0x17: {  	s30 =	sadd.s32 $0x1, s21;
	s16 =	sshll.u32 s21, $0xE;
	_ =	strace $0x8000004A  }
0x18: {  	s24 =	simm.s32 $0x1;
	s22 =	sor.u32 $0x100, s16;
	_ =	swait.ge [sflag:s30], $0x80  }
0x19: {  	s16 =	simm.s32 $0x1;
	p0 =	por $0x1, $0x1;
	[sflag:s30] =	ssyncset.done $0x0  }
0x1a: {  	s16 =	simm.s32 @!p4 $0x0;
	p2 =	por p0, p0;
	[sflag:s30] =	ssyncadd.s32 $0xFFFFFF80  }
0x1b: {  	s12 =	simm.s32 $0x7F;
	s14 =	simm.s32 $0x7E;
	_ =	strace $0x9000004A  }
0x1c: {  	s15 =	sand.u32 @!p0 $0x1, s2;
	p0 =	por $0x0, $0x0;
	_ =	strace $0x8000004B  }
0x1d: {  	s13 =	sand.u32 $0x80, s31;
	s19 =	sadd.s32 @!p2 $0x3, s15;
	s17 =	rddreg [dreg:$0x4]  }
0x1e: {  	[tilespmem:s22], [sflag:$0x5] =	stream.indirect.gather [hbm4b:s17+s8], $0x80, s13, s8, $0x2000b8;
	[tilespmem:$0x8100] =	vst v63  }
0x1f: {  	s15 =	simm.s32 $0x0;
	s17 =	sadd.s32 $0x1, s11;
	s13 =	simm.s32 $0x1  }
0x20: {  	_ =	swait.ge [sflag:s9], $0x4000;
	p5 =	seq.s32 s17, $0x80;
	s13 =	simm.s32 @!p3 $0x0  }
0x21: {  	[sflag:s9] =	ssyncset.done $0x0;
	s17 =	simm.s32 @p5 $0x0;
	p5 =	por p6, p1  }
0x22: {  	p6 =	por $0x1, $0x1;
	s20 =	sadd.s32 $0x1, s13;
	s13 =	simm.s32 $0x0  }
0x23: {  	[sflag:s9] =	ssyncadd.s32 $0xFFFFC000;
	p1 =	sne.s32 s11, s17;
	s23 =	sshll.u32 @p5 s18, $0xB  }
0x24: {  	s24 =	simm.s32 @!p5 $0x0;
	p3 =	por !p6, !p1;
	_ =	strace $0x9000004B  }
0x25: {  	s18 =	simm.s32 $0x0;
	p3 =	por !p3, !p3;
	_ =	strace @p5 $0x8000004C  }
0x26: {  	s25 =	sand.u32 @p3 $0x1, s20;
	s28 =	sadd.s32 @p3 s4, s17;
	s26 =	rddreg [dreg:$0x5]  }
.LBB2_2:
0x27: {  	s28 =	sshll.u32 @p3 s28, $0x4;
	s29 =	sand.u32 @p5 $0x1FFFF800, s23;
	s15 =	sadd.s32 s24, s15  }
0x28: {  	s23 =	smov.u32 s12;
	s12 =	smov.u32 s14;
	s21 =	sadd.s32 @p5 $0x3, s21  }
0x29: {  	s30 =	simm.s32 @p5 $0x0;
	s18 =	sadd.s32 s24, s18;
	s26 =	sadd.s32 @p5 s26, s29  }
0x2a: {  	[hbm4b:s26+s30] =	stream.linear.scatter @p5 [tilespmem:s22], [sflag:s21], $0x4000, $0x200038;
	[tilespmem:$0x8100] =	vst v63  }
0x2b: {  	s14 =	sadd.s32 $0xFFFFFFFF, s14;
	s13 =	sadd.s32 s16, s13;
	_ =	strace @p5 $0x9000004C  }
0x2c: {  	s28 =	sand.u32 @p3 $0x1FFFFFF0, s28;
	s24 =	sshll.u32 s18, $0x7;
	_ =	strace @!p2 $0x8000004D  }
0x2d: {  	p4 =	sne.s32 s14, $0x0;
	s16 =	sand.u32 @!p0 $0x1, s13;
	_ =	swait.ge @!p2 [sflag:s19], $0x4000  }
0x2e: {  	s28 =	sadd.s32 @p3 s1, s28;
	s26 =	sand.u32 $0x1, s18;
	[sflag:s19] =	ssyncset.done @!p2 $0x0  }
0x2f: {  	s22 =	simm.s32 @p3 $0x0;
	s21 =	sand.u32 $0x1, s15;
	[sflag:s19] =	ssyncadd.s32 @!p2 $0xFFFFC000  }
0x30: {  	s24 =	sand.u32 $0x80, s24;
	s29 =	sadd.s32 $0x1, s26;
	_ =	strace @!p2 $0x9000004D  }
0x31: {  	s19 =	sshll.u32 @p3 s25, $0x7;
	s25 =	sadd.s32 @p3 $0x1, s25;
	_ =	strace @p3 $0x80000049  }
0x32: {  	[tilespmem:s19], [sflag:s25] =	stream.linear.gather @p3 [hbm4b:s28+s22], $0x80, $0x200038;
	[tilespmem:$0x8100] =	vst v63  }
0x33: {  	s31 =	sshll.u32 s21, $0xE;
	s26 =	simm.s32 $0x1;
	_ =	strace @p3 $0x90000049  }
0x34: {  	p5 =	sne.s32 s23, $0x80;
	s26 =	simm.s32 @!p3 $0x0;
	_ =	strace $0x8000004A  }
0x35: {  	s20 =	sadd.s32 s26, s20;
	p2 =	por p0, p0;
	_ =	swait.ge [sflag:s29], $0x80  }
0x36: {  	s25 =	sadd.s32 s4, s11;
	s11 =	smov.u32 s17;
	[sflag:s29] =	ssyncset.done $0x0  }
0x37: {  	s19 =	sadd.s32 @!p2 $0x3, s16;
	s22 =	sor.u32 $0x100, s31;
	[sflag:s29] =	ssyncadd.s32 $0xFFFFFF80  }
0x38: {  	s16 =	simm.s32 $0x1;
	s17 =	sadd.s32 $0x1, s17;
	_ =	strace $0x9000004A  }
0x39: {  	s16 =	simm.s32 @!p5 $0x0;
	p6 =	seq.s32 s17, $0x80;
	_ =	strace $0x8000004B  }
0x3a: {  	p5 =	seq.s32 s23, $0x1;
	s17 =	simm.s32 @p6 $0x0;
	s30 =	rddreg [dreg:$0x4]  }
0x3b: {  	[tilespmem:s22], [sflag:$0x5] =	stream.indirect.gather [hbm4b:s30+s8], $0x80, s24, s8, $0x2000b8;
	[tilespmem:$0x8100] =	vst v63  }
0x3c: {  	p5 =	por p5, p1;
	p6 =	sne.s32 s12, $0x1;
	_ =	swait.ge [sflag:s9], $0x4000  }
.Ltmp0:
0x3d: {  	p1 =	sne.s32 s11, s17;
	[sflag:s9] =	ssyncset.done $0x0;
	(pc) =	sbr.rel @p4 .LBB2_2-.Ltmp0, $4  }
0x3e: {  	p0 =	seq.s32 s12, $0x80;
	p3 =	por !p6, !p1;
	[sflag:s9] =	ssyncadd.s32 $0xFFFFC000  }
0x3f: {  	s23 =	sshll.u32 @p5 s25, $0xB;
	p3 =	por !p3, !p3;
	_ =	strace $0x9000004B  }
0x40: {  	s25 =	sand.u32 @p3 $0x1, s20;
	s24 =	simm.s32 $0x1;
	_ =	strace @p5 $0x8000004C  }
0x41: {  	s28 =	sadd.s32 @p3 s4, s17;
	s24 =	simm.s32 @!p5 $0x0;
	s26 =	rddreg [dreg:$0x5]  }
0x42: {  	s14 =	sand.u32 @p5 $0x1FFFF800, s23  }
0x43: {  	s17 =	sadd.s32 @p5 $0x3, s21;
	s20 =	simm.s32 @p5 $0x0;
	s14 =	sadd.s32 @p5 s26, s14  }
0x44: {  	[hbm4b:s14+s20] =	stream.linear.scatter @p5 [tilespmem:s22], [sflag:s17], $0x4000, $0x200038;
	[tilespmem:$0x8100] =	vst v63  }
0x45: {  	_ =	strace @p5 $0x9000004C  }
0x46: {  	_ =	strace @!p2 $0x8000004D  }
0x47: {  	_ =	swait.ge @!p2 [sflag:s19], $0x4000  }
0x48: {  	s23 =	sadd.s32 s24, s18;
	[sflag:s19] =	ssyncset.done @!p2 $0x0  }
0x49: {  	s18 =	simm.s32 @p3 $0x0;
	s14 =	sshll.u32 @p3 s28, $0x4;
	[sflag:s19] =	ssyncadd.s32 @!p2 $0xFFFFC000  }
0x4a: {  	s20 =	sadd.s32 @p3 $0x1, s25;
	s14 =	sand.u32 @p3 $0x1FFFFFF0, s14;
	_ =	strace @!p2 $0x9000004D  }
0x4b: {  	s14 =	sadd.s32 @p3 s1, s14;
	s19 =	sshll.u32 @p3 s25, $0x7;
	_ =	strace @p3 $0x80000049  }
0x4c: {  	[tilespmem:s19], [sflag:s20] =	stream.linear.gather @p3 [hbm4b:s14+s18], $0x80, $0x200038;
	[tilespmem:$0x8100] =	vst v63  }
0x4d: {  	s26 =	sand.u32 $0x1, s23;
	_ =	strace @p3 $0x90000049  }
0x4e: {  	s14 =	sadd.s32 $0x1, s26;
	_ =	strace $0x8000004A  }
0x4f: {  	_ =	swait.ge [sflag:s14], $0x80  }
0x50: {  	[sflag:s14] =	ssyncset.done $0x0  }
0x51: {  	s28 =	sadd.s32 s24, s15;
	[sflag:s14] =	ssyncadd.s32 $0xFFFFFF80  }
0x52: {  	s14 =	sand.u32 $0x1, s28;
	_ =	strace $0x9000004A  }
0x53: {  	s17 =	sshll.u32 s23, $0x7;
	s30 =	sshll.u32 s14, $0xE;
	_ =	strace $0x8000004B  }
0x54: {  	s17 =	sand.u32 $0x80, s17;
	s18 =	sor.u32 $0x100, s30;
	s29 =	rddreg [dreg:$0x4]  }
0x55: {  	[tilespmem:s18], [sflag:$0x5] =	stream.indirect.gather [hbm4b:s29+s8], $0x80, s17, s8, $0x2000b8;
	[tilespmem:$0x8100] =	vst v63  }
0x56: {  	_ =	swait.ge [sflag:s9], $0x4000  }
0x57: {  	[sflag:s9] =	ssyncset.done $0x0  }
0x58: {  	p6 =	seq.s32 s12, $0x1;
	[sflag:s9] =	ssyncadd.s32 $0xFFFFC000  }
0x59: {  	s11 =	sadd.s32 s4, s11;
	p1 =	por p6, p1;
	_ =	strace $0x9000004B  }
0x5a: {  	s11 =	sshll.u32 @p1 s11, $0xB;
	_ =	strace @p1 $0x8000004C  }
0x5b: {  	s13 =	sadd.s32 s16, s13;
	s11 =	sand.u32 @p1 $0x1FFFF800, s11;
	s15 =	rddreg [dreg:$0x5]  }
0x5c: {  	s16 =	simm.s32 @p1 $0x0;
	s14 =	sadd.s32 @p1 $0x3, s14;
	s11 =	sadd.s32 @p1 s15, s11  }
0x5d: {  	[hbm4b:s11+s16] =	stream.linear.scatter @p1 [tilespmem:s18], [sflag:s14], $0x4000, $0x200038;
	[tilespmem:$0x8100] =	vst v63  }
0x5e: {  	s11 =	sand.u32 @!p0 $0x1, s13;
	p0 =	por p0, p0;
	_ =	strace @p1 $0x9000004C  }
0x5f: {  	s11 =	sadd.s32 @!p0 $0x3, s11;
	_ =	strace @!p0 $0x8000004D  }
0x60: {  	p1 =	sne.s32 s12, $0x80;
	s12 =	simm.s32 $0x1;
	_ =	swait.ge @!p0 [sflag:s11], $0x4000  }
0x61: {  	s12 =	simm.s32 @!p1 $0x0;
	[sflag:s11] =	ssyncset.done @!p0 $0x0  }
0x62: {  	s10 =	sadd.s32 $0x1, s10;
	s12 =	sadd.s32 s12, s13;
	[sflag:s11] =	ssyncadd.s32 @!p0 $0xFFFFC000  }
0x63: {  	s31 =	sand.u32 $0x1, s12;
	_ =	strace @!p0 $0x9000004D;
	p0 =	sne.s32 s10, s6  }
.Ltmp1:
0x64: {  	s11 =	sadd.s32 $0x3, s31;
	_ =	strace $0x8000004E;
	(pc) =	sbr.rel @p0 .LBB2_1-.Ltmp1, $4  }
0x65: {  	_ =	swait.ge [sflag:s11], $0x4000  }
0x66: {  	[sflag:s11] =	ssyncset.done $0x0  }
0x67: {  	[sflag:s11] =	ssyncadd.s32 $0xFFFFC000  }
0x68: {  	_ =	strace $0x9000004E  }
0x69: {  	_ =	sfence.sel $0x180000  }
0x6a: {  	[bflag:$0x0] =	sbarrier.arrive $0xFFFF  }
0x6b: {  	p0 =	sne.s32 s3, $0x0;
	_ =	strace $0x90000047  }
0x6c: {  	s0 =	sadd.s32 @!p0 $0x100000, s0;
	[bflag:$0x2] =	sbarrier.arrive $0xFFFF  }
0x6d: {  	[sflag:s0] =	ssyncadd.tile.s32 @!p0 $0x1;
	_ =	shalt  }
.Lfunc_end2:
_tile_overlayer_lowered:
.L_overlay_start_2:
0x6e: {  	(tag) =	ssettag $0x2  }
0x6f: {  	s0 =	rddreg [dreg:$0x0];
	s2 =	stileid.u32  }
0x70: {  	s1 =	rddreg [dreg:$0x1];
	p0 =	sne.s32 s2, $0x0  }
0x71: {  	s3 =	rddreg [dreg:$0x2];
	[bflag:$0x3] =	sbarrier.arrive $0xFFFF;
	s2 =	simm.s32 @!p0 $0x1C01  }
0x72: {  	[timem:s3], [sflag:s2] =	dma.local @!p0 [hbm:s0], s1  }
0x73: {  	s0 =	simm.s32 @!p0 $0x1  }
0x74: {  	_ =	swait.ge @!p0 [sflag:s0], s1  }
0x75: {  	s1 =	ssub.s32 @!p0 $0x0, s1;
	[sflag:s0] =	ssyncset.done @!p0 $0x0  }
0x76: {  	[sflag:s0] =	ssyncadd.s32 @!p0 s1  }
0x77: {  	[bflag:$0x3] =	sbarrier.arrive $0xFFFF  }
0x78: {  	_ =	shalt  }

</sc_bundles>
